<compile_context>
chip_gen: v7x
topology: tpu7x:2x2x1
jax: 0.10.2.dev20260603
libtpu: 0.0.44.dev20260713+nightly
codegen_flags: <defaults>
</compile_context>

<pallas_src>
import functools

import jax
import jax.numpy as jnp
from jax import lax
from jax.experimental import pallas as pl
from jax.experimental.pallas import tpu as pltpu
from jax.experimental.pallas import tpu_sc as plsc

N, T, F = 8, 512, 80
U = 128
U1 = U + 1
D_ENC = 512
D_DEC = 512
V = 500
NEG = -1e30
NDIAG = T + U1 - 1

_SC_INFO = plsc.get_sparse_core_info()
_NC, _NS = _SC_INFO.num_cores, _SC_INFO.num_subcores
_NW = _NC * _NS
_B = N * U1
_B_PAD = ((_B + 8 * _NW - 1) // (8 * _NW)) * (8 * _NW)
_B_PER_W = _B_PAD // _NW


_NCHUNK = 5
_C = _B_PER_W // _NCHUNK


@functools.partial(
    pl.kernel,
    mesh=plsc.VectorSubcoreMesh(core_axis_name="c", subcore_axis_name="s"),
    out_type=jax.ShapeDtypeStruct((_B_PAD, D_DEC), jnp.float32),
    scratch_types=[
        pltpu.VMEM((_B_PER_W,), jnp.int32),
        pltpu.VMEM((_B_PER_W, D_DEC), jnp.float32),
    ] + [pltpu.SemaphoreType.DMA] * (2 * _NCHUNK),
)
def _sc_embed_gather(table_hbm, idx_hbm, out_hbm, idx_v, rows_v, *sems):
    wid = lax.axis_index("s") * _NC + lax.axis_index("c")
    base = wid * _B_PER_W
    pltpu.sync_copy(idx_hbm.at[pl.ds(base, _B_PER_W)], idx_v)
    gathers = []
    for j in range(_NCHUNK):
        sl = pl.ds(j * _C, _C)
        gathers.append(
            pltpu.async_copy(table_hbm.at[idx_v.at[sl]], rows_v.at[sl],
                             sems[j]))
    writes = []
    for j in range(_NCHUNK):
        sl = pl.ds(j * _C, _C)
        gathers[j].wait()
        writes.append(
            pltpu.async_copy(rows_v.at[sl], out_hbm.at[pl.ds(base + j * _C, _C)],
                             sems[_NCHUNK + j]))
    for w in writes:
        w.wait()


def _dot(a, b):
    return lax.dot_general(
        a, b, (((1,), (0,)), ((), ())),
        preferred_element_type=jnp.float32,
        precision=lax.Precision.HIGHEST)


def _dot_nt(a, b):
    return lax.dot_general(
        a, b, (((1,), (1,)), ((), ())),
        preferred_element_type=jnp.float32,
        precision=lax.Precision.HIGHEST)


def _logaddexp(a, b):
    m = jnp.maximum(a, b)
    d = -jnp.abs(a - b)
    return m + jnp.log1p(jnp.exp(d))


def _am_kernel(x_ref, wenc_ref, benc_ref, wam_ref, bam_ref, am_ref):
    M = _dot(wenc_ref[...], wam_ref[...])
    c_am = _dot(benc_ref[...], wam_ref[...]) + bam_ref[...]
    am_ref[...] = _dot(x_ref[...], M) + c_am


def _rnnt_kernel(am_ref, xlen_ref, ylen_ref, dec_ref, ypad_ref,
                 wlm_ref, blm_ref, out_ref, sb_ref, sl_ref):
    f32 = jnp.float32
    x_lens = xlen_ref[...]
    y_lens = ylen_ref[...]

    am = am_ref[...]
    amax = jnp.max(am, axis=1, keepdims=True)
    eam = jnp.exp(am - amax)

    dec = dec_ref[...][:N * U1]
    lm_all = _dot(dec, wlm_ref[...]) + blm_ref[...]

    e0 = (lax.broadcasted_iota(jnp.int32, (1, V), 1) == 0).astype(f32)
    u_eye = (lax.broadcasted_iota(jnp.int32, (U1, U1), 0) ==
             lax.broadcasted_iota(jnp.int32, (U1, U1), 1)).astype(f32)
    ones_row = jnp.ones((1, U1), dtype=f32)
    uv_iota = lax.broadcasted_iota(jnp.int32, (U1, V), 1)

    blank_rows = []
    label_rows = []
    lm0_rows = []
    lmy_rows = []
    bmax_rows = []
    for n in range(N):
        ypad_n = ypad_ref[n]
        yoh_n = (ypad_n == uv_iota).astype(f32)
        lm_n = lm_all[n * U1:(n + 1) * U1]
        bmax_n = jnp.max(lm_n)
        elm_n = jnp.exp(lm_n - bmax_n)

        am_n = am[n * T:(n + 1) * T]
        eam_n = eam[n * T:(n + 1) * T]
        amax_n = amax[n * T:(n + 1) * T]
        zlog_n = jnp.log(_dot_nt(eam_n, elm_n)) + amax_n
        am_y_n = _dot_nt(am_n, yoh_n)
        am0_n = am_n[:, 0:1]

        blank_rows.append((am0_n - zlog_n).reshape(T, 1, U1))
        label_rows.append((am_y_n - zlog_n).reshape(T, 1, U1))
        lm0_rows.append(_dot_nt(e0, lm_n))
        lmy_col = jnp.sum(lm_n * yoh_n, axis=1, keepdims=True)
        lmy_rows.append(_dot(ones_row, u_eye * lmy_col))
        bmax_rows.append(bmax_n.reshape(1, 1))

    blank = jnp.concatenate(blank_rows, axis=1)
    label = jnp.concatenate(label_rows, axis=1)
    lm0 = jnp.concatenate(lm0_rows, axis=0)
    lm_y = jnp.concatenate(lmy_rows, axis=0)
    bmax = jnp.concatenate(bmax_rows, axis=0)

    pad = jnp.full((NDIAG - T, N, U1), NEG, dtype=f32)
    sb = jnp.concatenate([blank, pad], axis=0)
    sl = jnp.concatenate([label, pad], axis=0)
    lane_u = lax.broadcasted_iota(jnp.int32, (1, 1, U1), 2)
    for bit in range(8):
        sh = 1 << bit
        mask = (lane_u & sh) != 0
        fill = jnp.full((sh, N, U1), NEG, dtype=f32)
        sb = jnp.where(mask, jnp.concatenate([fill, sb[:-sh]], axis=0), sb)
        sl = jnp.where(mask, jnp.concatenate([fill, sl[:-sh]], axis=0), sl)

    u_iota = lax.broadcasted_iota(jnp.int32, (N, U1), 1)
    valid_u = u_iota < y_lens
    sb = sb + (lm0 - bmax)[None]
    sl = jnp.where(valid_u[None], sl + (lm_y - bmax)[None], NEG)
    sb_ref[...] = sb
    sl_ref[...] = sl

    dvec = x_lens + y_lens - 1
    usel = u_iota == y_lens
    alpha0 = jnp.where(u_iota == 0, 0.0, NEG).astype(f32)
    acc0 = jnp.zeros((N, U1), dtype=f32)
    negcol = jnp.full((N, 1), NEG, dtype=f32)

    def body(d, carry):
        alpha, acc = carry
        sb_d = sb_ref[d]
        sl_d = sl_ref[d]
        t_blank = alpha + sb_d
        hit = jnp.logical_and(dvec == d, usel)
        acc = acc + jnp.where(hit, t_blank, 0.0)
        t_label = alpha + sl_d
        t_label = jnp.concatenate([negcol, t_label[:, :-1]], axis=1)
        alpha = _logaddexp(t_blank, t_label)
        return alpha, acc

    _, acc = lax.fori_loop(0, NDIAG, body, (alpha0, acc0))
    out_ref[...] = (-jnp.sum(acc)).reshape(1, 1)


@jax.jit
def kernel(x, x_lens, y, y_lens, W_enc, b_enc, emb, W_am, b_am, W_lm, b_lm):
    y32 = y.astype(jnp.int32)
    zcol = jnp.zeros((N, 1), dtype=jnp.int32)
    sos_flat = jnp.concatenate([zcol, y32], axis=1).reshape(_B)
    idx = jnp.zeros((_B_PAD,), dtype=jnp.int32).at[:_B].set(sos_flat)
    dec = _sc_embed_gather(emb, idx)
    am = pl.pallas_call(
        _am_kernel,
        out_shape=jax.ShapeDtypeStruct((N * T, V), jnp.float32),
    )(x.reshape(N * T, F), W_enc, b_enc.reshape(1, D_ENC),
      W_am, b_am.reshape(1, V))
    ypad = jnp.concatenate([y32, zcol], axis=1).reshape(N, U1, 1)
    out = pl.pallas_call(
        _rnnt_kernel,
        out_shape=jax.ShapeDtypeStruct((1, 1), jnp.float32),
        scratch_shapes=[pltpu.VMEM((NDIAG, N, U1), jnp.float32),
                        pltpu.VMEM((NDIAG, N, U1), jnp.float32)],
    )(am, x_lens.astype(jnp.int32).reshape(N, 1),
      y_lens.astype(jnp.int32).reshape(N, 1), dec, ypad,
      W_lm, b_lm.reshape(1, V))
    return out[0, 0]

# --- scband reference (transcript-rebuilt; emitter-appended) ---
"""Pipeline reference for scband-transducer-44470091383515 (READ-ONLY COPY).

The authoritative reference and input builder live on the scoring server;
editing this copy changes nothing except your own understanding.
"""

import jax, jax.numpy as jnp
import numpy as np

N, T, F = 8, 512, 80
U = 128
D_ENC = 512
D_DEC = 512
V = 500
NEG = -1e30


def setup_inputs(seed: int = 0) -> dict:
    key = jax.random.key(seed)
    ks = jax.random.split(key, 10)
    x = jax.random.normal(ks[0], (N, T, F), dtype=jnp.float32)
    x_lens = jax.random.randint(ks[1], (N,), T // 2, T + 1)
    y = jax.random.randint(ks[2], (N, U), 1, V)
    y_lens = jax.random.randint(ks[3], (N,), U // 2, U + 1)
    W_enc = jax.random.normal(ks[4], (F, D_ENC), dtype=jnp.float32) * (1.0 / np.sqrt(F))
    b_enc = jnp.zeros((D_ENC,), dtype=jnp.float32)
    emb = jax.random.normal(ks[5], (V, D_DEC), dtype=jnp.float32) * 0.02
    W_am = jax.random.normal(ks[6], (D_ENC, V), dtype=jnp.float32) * (1.0 / np.sqrt(D_ENC))
    b_am = jnp.zeros((V,), dtype=jnp.float32)
    W_lm = jax.random.normal(ks[7], (D_DEC, V), dtype=jnp.float32) * (1.0 / np.sqrt(D_DEC))
    b_lm = jnp.zeros((V,), dtype=jnp.float32)
    return {"x": x, "x_lens": x_lens, "y": y, "y_lens": y_lens,
            "W_enc": W_enc, "b_enc": b_enc, "emb": emb,
            "W_am": W_am, "b_am": b_am, "W_lm": W_lm, "b_lm": b_lm}


def _rnnt_loss(am, lm, y, x_lens, y_lens):
    # am: (N, T, V) acoustic logits; lm: (N, U+1, V) label logits (sos-prepended)
    Np = am.shape[0]
    U1 = lm.shape[1]
    # target symbol consumed when moving u -> u+1 at the same t
    y_pad = jnp.concatenate([y, jnp.zeros((Np, 1), dtype=y.dtype)], axis=1)  # (N, U+1)
    u_idx = jnp.arange(U1)
    valid_u = u_idx[None, :] < y_lens[:, None]  # can only emit label while u < y_len

    def t_step(beta, am_t):
        # beta: (N, U+1) = alpha[t-1] + blank_lp[t-1]  (blank moves t-1 -> t)
        joint = am_t[:, None, :] + lm                      # (N, U+1, V) additive joiner
        logp = jax.nn.log_softmax(joint, axis=-1)
        blank_lp = logp[..., 0]                             # blank_id = 0
        label_lp = jnp.take_along_axis(logp, y_pad[..., None], axis=-1)[..., 0]
        label_lp = jnp.where(valid_u, label_lp, NEG)
        # within-row recursion: alpha[t,u] = logaddexp(beta[u], alpha[t,u-1] + label_lp[t,u-1])
        a0 = beta[:, 0]
        def u_step(prev, inp):
            b_u, lab_prev = inp
            a = jnp.logaddexp(b_u, prev + lab_prev)
            return a, a
        _, rest = jax.lax.scan(u_step, a0, (jnp.swapaxes(beta[:, 1:], 0, 1), jnp.swapaxes(label_lp[:, :-1], 0, 1)))
        alpha = jnp.concatenate([a0[:, None], jnp.swapaxes(rest, 0, 1)], axis=1)
        new_beta = alpha + blank_lp
        return new_beta, (alpha, blank_lp)

    beta0 = jnp.full((Np, U1), NEG, dtype=am.dtype).at[:, 0].set(0.0)
    _, (alphas, blank_lps) = jax.lax.scan(t_step, beta0, jnp.swapaxes(am, 0, 1))
    # alphas, blank_lps: (T, N, U+1). total log-prob: final blank emitted at (x_len-1, y_len)
    n_idx = jnp.arange(Np)
    final_lp = alphas[x_lens - 1, n_idx, y_lens] + blank_lps[x_lens - 1, n_idx, y_lens]
    return -jnp.sum(final_lp)


def reference(x, x_lens, y, y_lens, W_enc, b_enc, emb, W_am, b_am, W_lm, b_lm):
    # encoder (transcription network): per-frame projection
    enc = jnp.einsum('ntf,fd->ntd', x, W_enc) + b_enc       # (N, T, D_ENC)
    # decoder (prediction network): embedding of sos-prepended labels (blank_id=0 as sos)
    sos_y = jnp.concatenate([jnp.zeros((x.shape[0], 1), dtype=y.dtype), y], axis=1)
    dec = jnp.take(emb, sos_y, axis=0)                      # (N, U+1, D_DEC)
    # simple_am_proj / simple_lm_proj
    am = jnp.einsum('ntd,dv->ntv', enc, W_am) + b_am        # (N, T, V)
    lm = jnp.einsum('nud,dv->nuv', dec, W_lm) + b_lm        # (N, U+1, V)
    loss = _rnnt_loss(am.astype(jnp.float32), lm.astype(jnp.float32), y, x_lens, y_lens)
    return loss

if __name__ == "__main__":
    import jax
    _d = setup_inputs()
    print(jax.jit(kernel)(*tuple(_d.values())))

</pallas_src>

<mosaic_0001>
#map = affine_map<(d0, d1) -> (0, 0)>
#map1 = affine_map<(d0, d1) -> (0)>
module attributes {stable_mosaic.version = 14 : i64} {
  func.func @_sc_embed_gather(%arg0: i32, %arg1: i32, %arg2: memref<500x512xf32, #tpu.memory_space<hbm>>, %arg3: memref<1280xi32, #tpu.memory_space<hbm>>, %arg4: memref<1280x512xf32, #tpu.memory_space<hbm>>, %arg5: memref<40xi32, #tpu.memory_space<vmem>>, %arg6: memref<40x512xf32, #tpu.memory_space<vmem>>, %arg7: memref<!tpu.dma_semaphore, #tpu.memory_space<semaphore_mem>>, %arg8: memref<!tpu.dma_semaphore, #tpu.memory_space<semaphore_mem>>, %arg9: memref<!tpu.dma_semaphore, #tpu.memory_space<semaphore_mem>>, %arg10: memref<!tpu.dma_semaphore, #tpu.memory_space<semaphore_mem>>, %arg11: memref<!tpu.dma_semaphore, #tpu.memory_space<semaphore_mem>>, %arg12: memref<!tpu.dma_semaphore, #tpu.memory_space<semaphore_mem>>, %arg13: memref<!tpu.dma_semaphore, #tpu.memory_space<semaphore_mem>>, %arg14: memref<!tpu.dma_semaphore, #tpu.memory_space<semaphore_mem>>, %arg15: memref<!tpu.dma_semaphore, #tpu.memory_space<semaphore_mem>>, %arg16: memref<!tpu.dma_semaphore, #tpu.memory_space<semaphore_mem>>) attributes {dimension_semantics = [#tpu.dimension_semantics<core_parallel>, #tpu.dimension_semantics<subcore_parallel>], iteration_bounds = array<i64: 2, 16>, scalar_prefetch = 0 : i64, scratch_operands = 12 : i64, tpu.core_type = #tpu.core_type<sc_vector_subcore>, window_params = [{transform_indices = #map}, {transform_indices = #map1}, {transform_indices = #map}]} {
    %mul3A = arith.constant 2 : i32
    %mul3A_0 = arith.muli %arg1, %mul3A : i32
    %add3A = arith.addi %mul3A_0, %arg0 : i32
    %mul3A_1 = arith.constant 40 : i32
    %mul3A_2 = arith.muli %add3A, %mul3A_1 : i32
    "tpu.region"() ({
      %run_scoped3A = tpu.sem_alloc : memref<!tpu.dma_semaphore, #tpu.memory_space<semaphore_mem>>
      %dma_start3A_191 = tpu.memref_slice %arg3[%mul3A_2] : memref<1280xi32, #tpu.memory_space<hbm>> -> memref<40xi32, #tpu.memory_space<hbm>>
      %dma_start3A_192 = tpu.memref_slice %arg3[%mul3A_2] : memref<1280xi32, #tpu.memory_space<hbm>> -> memref<40xi32, #tpu.memory_space<hbm>>
      tpu.enqueue_dma source(%dma_start3A_192 : memref<40xi32, #tpu.memory_space<hbm>>) target(%arg5 : memref<40xi32, #tpu.memory_space<vmem>>) target_semaphore(%run_scoped3A : memref<!tpu.dma_semaphore, #tpu.memory_space<semaphore_mem>>)
      %dma_wait3A_193 = tpu.memref_slice %arg3[%mul3A_2] : memref<1280xi32, #tpu.memory_space<hbm>> -> memref<40xi32, #tpu.memory_space<hbm>>
      %dma_wait3A_194 = tpu.memref_slice %arg3[%mul3A_2] : memref<1280xi32, #tpu.memory_space<hbm>> -> memref<40xi32, #tpu.memory_space<hbm>>
      tpu.wait_dma2 semaphore(%run_scoped3A : memref<!tpu.dma_semaphore, #tpu.memory_space<semaphore_mem>>) src(%dma_wait3A_194 : memref<40xi32, #tpu.memory_space<hbm>>) dst(%arg5 : memref<40xi32, #tpu.memory_space<vmem>>)
      tpu.yield
    }) : () -> ()
    %dma_start3A = arith.constant 0 : i32
    %dma_start3A_3 = arith.constant 0 : i32
    %dma_start3A_4 = tpu.memref_slice %arg6[%dma_start3A, %dma_start3A_3] : memref<40x512xf32, #tpu.memory_space<vmem>> -> memref<8x512xf32, #tpu.memory_space<vmem>>
    %dma_start3A_5 = arith.constant 0 : i32
    %dma_start3A_6 = tpu.memref_slice %arg5[%dma_start3A_5] : memref<40xi32, #tpu.memory_space<vmem>> -> memref<8xi32, #tpu.memory_space<vmem>>
    %dma_start3A_7 = arith.constant 0 : i32
    %dma_start3A_8 = arith.constant 0 : i32
    %dma_start3A_9 = tpu.memref_slice %arg2[%dma_start3A_7, %dma_start3A_8] : memref<500x512xf32, #tpu.memory_space<hbm>> -> memref<500x512xf32, #tpu.memory_space<hbm>>
    tpu.enqueue_indirect_dma source(%dma_start3A_9 : memref<500x512xf32, #tpu.memory_space<hbm>>) target(%dma_start3A_4 : memref<8x512xf32, #tpu.memory_space<vmem>>) offsets(%dma_start3A_6 : memref<8xi32, #tpu.memory_space<vmem>>) semaphore(%arg7 : memref<!tpu.dma_semaphore, #tpu.memory_space<semaphore_mem>>)
    %dma_start3A_10 = arith.constant 8 : i32
    %dma_start3A_11 = arith.constant 0 : i32
    %dma_start3A_12 = tpu.memref_slice %arg6[%dma_start3A_10, %dma_start3A_11] : memref<40x512xf32, #tpu.memory_space<vmem>> -> memref<8x512xf32, #tpu.memory_space<vmem>>
    %dma_start3A_13 = arith.constant 8 : i32
    %dma_start3A_14 = tpu.memref_slice %arg5[%dma_start3A_13] : memref<40xi32, #tpu.memory_space<vmem>> -> memref<8xi32, #tpu.memory_space<vmem>>
    %dma_start3A_15 = arith.constant 0 : i32
    %dma_start3A_16 = arith.constant 0 : i32
    %dma_start3A_17 = tpu.memref_slice %arg2[%dma_start3A_15, %dma_start3A_16] : memref<500x512xf32, #tpu.memory_space<hbm>> -> memref<500x512xf32, #tpu.memory_space<hbm>>
    tpu.enqueue_indirect_dma source(%dma_start3A_17 : memref<500x512xf32, #tpu.memory_space<hbm>>) target(%dma_start3A_12 : memref<8x512xf32, #tpu.memory_space<vmem>>) offsets(%dma_start3A_14 : memref<8xi32, #tpu.memory_space<vmem>>) semaphore(%arg8 : memref<!tpu.dma_semaphore, #tpu.memory_space<semaphore_mem>>)
    %dma_start3A_18 = arith.constant 16 : i32
    %dma_start3A_19 = arith.constant 0 : i32
    %dma_start3A_20 = tpu.memref_slice %arg6[%dma_start3A_18, %dma_start3A_19] : memref<40x512xf32, #tpu.memory_space<vmem>> -> memref<8x512xf32, #tpu.memory_space<vmem>>
    %dma_start3A_21 = arith.constant 16 : i32
    %dma_start3A_22 = tpu.memref_slice %arg5[%dma_start3A_21] : memref<40xi32, #tpu.memory_space<vmem>> -> memref<8xi32, #tpu.memory_space<vmem>>
    %dma_start3A_23 = arith.constant 0 : i32
    %dma_start3A_24 = arith.constant 0 : i32
    %dma_start3A_25 = tpu.memref_slice %arg2[%dma_start3A_23, %dma_start3A_24] : memref<500x512xf32, #tpu.memory_space<hbm>> -> memref<500x512xf32, #tpu.memory_space<hbm>>
    tpu.enqueue_indirect_dma source(%dma_start3A_25 : memref<500x512xf32, #tpu.memory_space<hbm>>) target(%dma_start3A_20 : memref<8x512xf32, #tpu.memory_space<vmem>>) offsets(%dma_start3A_22 : memref<8xi32, #tpu.memory_space<vmem>>) semaphore(%arg9 : memref<!tpu.dma_semaphore, #tpu.memory_space<semaphore_mem>>)
    %dma_start3A_26 = arith.constant 24 : i32
    %dma_start3A_27 = arith.constant 0 : i32
    %dma_start3A_28 = tpu.memref_slice %arg6[%dma_start3A_26, %dma_start3A_27] : memref<40x512xf32, #tpu.memory_space<vmem>> -> memref<8x512xf32, #tpu.memory_space<vmem>>
    %dma_start3A_29 = arith.constant 24 : i32
    %dma_start3A_30 = tpu.memref_slice %arg5[%dma_start3A_29] : memref<40xi32, #tpu.memory_space<vmem>> -> memref<8xi32, #tpu.memory_space<vmem>>
    %dma_start3A_31 = arith.constant 0 : i32
    %dma_start3A_32 = arith.constant 0 : i32
    %dma_start3A_33 = tpu.memref_slice %arg2[%dma_start3A_31, %dma_start3A_32] : memref<500x512xf32, #tpu.memory_space<hbm>> -> memref<500x512xf32, #tpu.memory_space<hbm>>
    tpu.enqueue_indirect_dma source(%dma_start3A_33 : memref<500x512xf32, #tpu.memory_space<hbm>>) target(%dma_start3A_28 : memref<8x512xf32, #tpu.memory_space<vmem>>) offsets(%dma_start3A_30 : memref<8xi32, #tpu.memory_space<vmem>>) semaphore(%arg10 : memref<!tpu.dma_semaphore, #tpu.memory_space<semaphore_mem>>)
    %dma_start3A_34 = arith.constant 32 : i32
    %dma_start3A_35 = arith.constant 0 : i32
    %dma_start3A_36 = tpu.memref_slice %arg6[%dma_start3A_34, %dma_start3A_35] : memref<40x512xf32, #tpu.memory_space<vmem>> -> memref<8x512xf32, #tpu.memory_space<vmem>>
    %dma_start3A_37 = arith.constant 32 : i32
    %dma_start3A_38 = tpu.memref_slice %arg5[%dma_start3A_37] : memref<40xi32, #tpu.memory_space<vmem>> -> memref<8xi32, #tpu.memory_space<vmem>>
    %dma_start3A_39 = arith.constant 0 : i32
    %dma_start3A_40 = arith.constant 0 : i32
    %dma_start3A_41 = tpu.memref_slice %arg2[%dma_start3A_39, %dma_start3A_40] : memref<500x512xf32, #tpu.memory_space<hbm>> -> memref<500x512xf32, #tpu.memory_space<hbm>>
    tpu.enqueue_indirect_dma source(%dma_start3A_41 : memref<500x512xf32, #tpu.memory_space<hbm>>) target(%dma_start3A_36 : memref<8x512xf32, #tpu.memory_space<vmem>>) offsets(%dma_start3A_38 : memref<8xi32, #tpu.memory_space<vmem>>) semaphore(%arg11 : memref<!tpu.dma_semaphore, #tpu.memory_space<semaphore_mem>>)
    %dma_wait3A = arith.constant 0 : i32
    %dma_wait3A_42 = arith.constant 0 : i32
    %dma_wait3A_43 = tpu.memref_slice %arg6[%dma_wait3A, %dma_wait3A_42] : memref<40x512xf32, #tpu.memory_space<vmem>> -> memref<8x512xf32, #tpu.memory_space<vmem>>
    %dma_wait3A_44 = arith.constant 0 : i32
    %dma_wait3A_45 = tpu.memref_slice %arg5[%dma_wait3A_44] : memref<40xi32, #tpu.memory_space<vmem>> -> memref<8xi32, #tpu.memory_space<vmem>>
    %dma_wait3A_46 = arith.constant 0 : i32
    %dma_wait3A_47 = arith.constant 0 : i32
    %dma_wait3A_48 = tpu.memref_slice %arg2[%dma_wait3A_46, %dma_wait3A_47] : memref<500x512xf32, #tpu.memory_space<hbm>> -> memref<500x512xf32, #tpu.memory_space<hbm>>
    tpu.wait_indirect_dma semaphore(%arg7 : memref<!tpu.dma_semaphore, #tpu.memory_space<semaphore_mem>>) src(%dma_wait3A_48 : memref<500x512xf32, #tpu.memory_space<hbm>>) dst(%dma_wait3A_43 : memref<8x512xf32, #tpu.memory_space<vmem>>)
    %add3A_49 = arith.constant 0 : i32
    %add3A_50 = arith.addi %mul3A_2, %add3A_49 : i32
    %dma_start3A_51 = arith.constant 0 : i32
    %dma_start3A_52 = arith.constant 0 : i32
    %dma_start3A_53 = tpu.memref_slice %arg6[%dma_start3A_51, %dma_start3A_52] : memref<40x512xf32, #tpu.memory_space<vmem>> -> memref<8x512xf32, #tpu.memory_space<vmem>>
    %dma_start3A_54 = arith.constant 0 : i32
    %dma_start3A_55 = tpu.memref_slice %arg4[%add3A_50, %dma_start3A_54] : memref<1280x512xf32, #tpu.memory_space<hbm>> -> memref<8x512xf32, #tpu.memory_space<hbm>>
    %dma_start3A_56 = arith.constant 0 : i32
    %dma_start3A_57 = tpu.memref_slice %arg4[%add3A_50, %dma_start3A_56] : memref<1280x512xf32, #tpu.memory_space<hbm>> -> memref<8x512xf32, #tpu.memory_space<hbm>>
    %dma_start3A_58 = arith.constant 0 : i32
    %dma_start3A_59 = arith.constant 0 : i32
    %dma_start3A_60 = tpu.memref_slice %arg6[%dma_start3A_58, %dma_start3A_59] : memref<40x512xf32, #tpu.memory_space<vmem>> -> memref<8x512xf32, #tpu.memory_space<vmem>>
    tpu.enqueue_dma source(%dma_start3A_60 : memref<8x512xf32, #tpu.memory_space<vmem>>) target(%dma_start3A_57 : memref<8x512xf32, #tpu.memory_space<hbm>>) target_semaphore(%arg12 : memref<!tpu.dma_semaphore, #tpu.memory_space<semaphore_mem>>)
    %dma_wait3A_61 = arith.constant 8 : i32
    %dma_wait3A_62 = arith.constant 0 : i32
    %dma_wait3A_63 = tpu.memref_slice %arg6[%dma_wait3A_61, %dma_wait3A_62] : memref<40x512xf32, #tpu.memory_space<vmem>> -> memref<8x512xf32, #tpu.memory_space<vmem>>
    %dma_wait3A_64 = arith.constant 8 : i32
    %dma_wait3A_65 = tpu.memref_slice %arg5[%dma_wait3A_64] : memref<40xi32, #tpu.memory_space<vmem>> -> memref<8xi32, #tpu.memory_space<vmem>>
    %dma_wait3A_66 = arith.constant 0 : i32
    %dma_wait3A_67 = arith.constant 0 : i32
    %dma_wait3A_68 = tpu.memref_slice %arg2[%dma_wait3A_66, %dma_wait3A_67] : memref<500x512xf32, #tpu.memory_space<hbm>> -> memref<500x512xf32, #tpu.memory_space<hbm>>
    tpu.wait_indirect_dma semaphore(%arg8 : memref<!tpu.dma_semaphore, #tpu.memory_space<semaphore_mem>>) src(%dma_wait3A_68 : memref<500x512xf32, #tpu.memory_space<hbm>>) dst(%dma_wait3A_63 : memref<8x512xf32, #tpu.memory_space<vmem>>)
    %add3A_69 = arith.constant 8 : i32
    %add3A_70 = arith.addi %mul3A_2, %add3A_69 : i32
    %dma_start3A_71 = arith.constant 8 : i32
    %dma_start3A_72 = arith.constant 0 : i32
    %dma_start3A_73 = tpu.memref_slice %arg6[%dma_start3A_71, %dma_start3A_72] : memref<40x512xf32, #tpu.memory_space<vmem>> -> memref<8x512xf32, #tpu.memory_space<vmem>>
    %dma_start3A_74 = arith.constant 0 : i32
    %dma_start3A_75 = tpu.memref_slice %arg4[%add3A_70, %dma_start3A_74] : memref<1280x512xf32, #tpu.memory_space<hbm>> -> memref<8x512xf32, #tpu.memory_space<hbm>>
    %dma_start3A_76 = arith.constant 0 : i32
    %dma_start3A_77 = tpu.memref_slice %arg4[%add3A_70, %dma_start3A_76] : memref<1280x512xf32, #tpu.memory_space<hbm>> -> memref<8x512xf32, #tpu.memory_space<hbm>>
    %dma_start3A_78 = arith.constant 8 : i32
    %dma_start3A_79 = arith.constant 0 : i32
    %dma_start3A_80 = tpu.memref_slice %arg6[%dma_start3A_78, %dma_start3A_79] : memref<40x512xf32, #tpu.memory_space<vmem>> -> memref<8x512xf32, #tpu.memory_space<vmem>>
    tpu.enqueue_dma source(%dma_start3A_80 : memref<8x512xf32, #tpu.memory_space<vmem>>) target(%dma_start3A_77 : memref<8x512xf32, #tpu.memory_space<hbm>>) target_semaphore(%arg13 : memref<!tpu.dma_semaphore, #tpu.memory_space<semaphore_mem>>)
    %dma_wait3A_81 = arith.constant 16 : i32
    %dma_wait3A_82 = arith.constant 0 : i32
    %dma_wait3A_83 = tpu.memref_slice %arg6[%dma_wait3A_81, %dma_wait3A_82] : memref<40x512xf32, #tpu.memory_space<vmem>> -> memref<8x512xf32, #tpu.memory_space<vmem>>
    %dma_wait3A_84 = arith.constant 16 : i32
    %dma_wait3A_85 = tpu.memref_slice %arg5[%dma_wait3A_84] : memref<40xi32, #tpu.memory_space<vmem>> -> memref<8xi32, #tpu.memory_space<vmem>>
    %dma_wait3A_86 = arith.constant 0 : i32
    %dma_wait3A_87 = arith.constant 0 : i32
    %dma_wait3A_88 = tpu.memref_slice %arg2[%dma_wait3A_86, %dma_wait3A_87] : memref<500x512xf32, #tpu.memory_space<hbm>> -> memref<500x512xf32, #tpu.memory_space<hbm>>
    tpu.wait_indirect_dma semaphore(%arg9 : memref<!tpu.dma_semaphore, #tpu.memory_space<semaphore_mem>>) src(%dma_wait3A_88 : memref<500x512xf32, #tpu.memory_space<hbm>>) dst(%dma_wait3A_83 : memref<8x512xf32, #tpu.memory_space<vmem>>)
    %add3A_89 = arith.constant 16 : i32
    %add3A_90 = arith.addi %mul3A_2, %add3A_89 : i32
    %dma_start3A_91 = arith.constant 16 : i32
    %dma_start3A_92 = arith.constant 0 : i32
    %dma_start3A_93 = tpu.memref_slice %arg6[%dma_start3A_91, %dma_start3A_92] : memref<40x512xf32, #tpu.memory_space<vmem>> -> memref<8x512xf32, #tpu.memory_space<vmem>>
    %dma_start3A_94 = arith.constant 0 : i32
    %dma_start3A_95 = tpu.memref_slice %arg4[%add3A_90, %dma_start3A_94] : memref<1280x512xf32, #tpu.memory_space<hbm>> -> memref<8x512xf32, #tpu.memory_space<hbm>>
    %dma_start3A_96 = arith.constant 0 : i32
    %dma_start3A_97 = tpu.memref_slice %arg4[%add3A_90, %dma_start3A_96] : memref<1280x512xf32, #tpu.memory_space<hbm>> -> memref<8x512xf32, #tpu.memory_space<hbm>>
    %dma_start3A_98 = arith.constant 16 : i32
    %dma_start3A_99 = arith.constant 0 : i32
    %dma_start3A_100 = tpu.memref_slice %arg6[%dma_start3A_98, %dma_start3A_99] : memref<40x512xf32, #tpu.memory_space<vmem>> -> memref<8x512xf32, #tpu.memory_space<vmem>>
    tpu.enqueue_dma source(%dma_start3A_100 : memref<8x512xf32, #tpu.memory_space<vmem>>) target(%dma_start3A_97 : memref<8x512xf32, #tpu.memory_space<hbm>>) target_semaphore(%arg14 : memref<!tpu.dma_semaphore, #tpu.memory_space<semaphore_mem>>)
    %dma_wait3A_101 = arith.constant 24 : i32
    %dma_wait3A_102 = arith.constant 0 : i32
    %dma_wait3A_103 = tpu.memref_slice %arg6[%dma_wait3A_101, %dma_wait3A_102] : memref<40x512xf32, #tpu.memory_space<vmem>> -> memref<8x512xf32, #tpu.memory_space<vmem>>
    %dma_wait3A_104 = arith.constant 24 : i32
    %dma_wait3A_105 = tpu.memref_slice %arg5[%dma_wait3A_104] : memref<40xi32, #tpu.memory_space<vmem>> -> memref<8xi32, #tpu.memory_space<vmem>>
    %dma_wait3A_106 = arith.constant 0 : i32
    %dma_wait3A_107 = arith.constant 0 : i32
    %dma_wait3A_108 = tpu.memref_slice %arg2[%dma_wait3A_106, %dma_wait3A_107] : memref<500x512xf32, #tpu.memory_space<hbm>> -> memref<500x512xf32, #tpu.memory_space<hbm>>
    tpu.wait_indirect_dma semaphore(%arg10 : memref<!tpu.dma_semaphore, #tpu.memory_space<semaphore_mem>>) src(%dma_wait3A_108 : memref<500x512xf32, #tpu.memory_space<hbm>>) dst(%dma_wait3A_103 : memref<8x512xf32, #tpu.memory_space<vmem>>)
    %add3A_109 = arith.constant 24 : i32
    %add3A_110 = arith.addi %mul3A_2, %add3A_109 : i32
    %dma_start3A_111 = arith.constant 24 : i32
    %dma_start3A_112 = arith.constant 0 : i32
    %dma_start3A_113 = tpu.memref_slice %arg6[%dma_start3A_111, %dma_start3A_112] : memref<40x512xf32, #tpu.memory_space<vmem>> -> memref<8x512xf32, #tpu.memory_space<vmem>>
    %dma_start3A_114 = arith.constant 0 : i32
    %dma_start3A_115 = tpu.memref_slice %arg4[%add3A_110, %dma_start3A_114] : memref<1280x512xf32, #tpu.memory_space<hbm>> -> memref<8x512xf32, #tpu.memory_space<hbm>>
    %dma_start3A_116 = arith.constant 0 : i32
    %dma_start3A_117 = tpu.memref_slice %arg4[%add3A_110, %dma_start3A_116] : memref<1280x512xf32, #tpu.memory_space<hbm>> -> memref<8x512xf32, #tpu.memory_space<hbm>>
    %dma_start3A_118 = arith.constant 24 : i32
    %dma_start3A_119 = arith.constant 0 : i32
    %dma_start3A_120 = tpu.memref_slice %arg6[%dma_start3A_118, %dma_start3A_119] : memref<40x512xf32, #tpu.memory_space<vmem>> -> memref<8x512xf32, #tpu.memory_space<vmem>>
    tpu.enqueue_dma source(%dma_start3A_120 : memref<8x512xf32, #tpu.memory_space<vmem>>) target(%dma_start3A_117 : memref<8x512xf32, #tpu.memory_space<hbm>>) target_semaphore(%arg15 : memref<!tpu.dma_semaphore, #tpu.memory_space<semaphore_mem>>)
    %dma_wait3A_121 = arith.constant 32 : i32
    %dma_wait3A_122 = arith.constant 0 : i32
    %dma_wait3A_123 = tpu.memref_slice %arg6[%dma_wait3A_121, %dma_wait3A_122] : memref<40x512xf32, #tpu.memory_space<vmem>> -> memref<8x512xf32, #tpu.memory_space<vmem>>
    %dma_wait3A_124 = arith.constant 32 : i32
    %dma_wait3A_125 = tpu.memref_slice %arg5[%dma_wait3A_124] : memref<40xi32, #tpu.memory_space<vmem>> -> memref<8xi32, #tpu.memory_space<vmem>>
    %dma_wait3A_126 = arith.constant 0 : i32
    %dma_wait3A_127 = arith.constant 0 : i32
    %dma_wait3A_128 = tpu.memref_slice %arg2[%dma_wait3A_126, %dma_wait3A_127] : memref<500x512xf32, #tpu.memory_space<hbm>> -> memref<500x512xf32, #tpu.memory_space<hbm>>
    tpu.wait_indirect_dma semaphore(%arg11 : memref<!tpu.dma_semaphore, #tpu.memory_space<semaphore_mem>>) src(%dma_wait3A_128 : memref<500x512xf32, #tpu.memory_space<hbm>>) dst(%dma_wait3A_123 : memref<8x512xf32, #tpu.memory_space<vmem>>)
    %add3A_129 = arith.constant 32 : i32
    %add3A_130 = arith.addi %mul3A_2, %add3A_129 : i32
    %dma_start3A_131 = arith.constant 32 : i32
    %dma_start3A_132 = arith.constant 0 : i32
    %dma_start3A_133 = tpu.memref_slice %arg6[%dma_start3A_131, %dma_start3A_132] : memref<40x512xf32, #tpu.memory_space<vmem>> -> memref<8x512xf32, #tpu.memory_space<vmem>>
    %dma_start3A_134 = arith.constant 0 : i32
    %dma_start3A_135 = tpu.memref_slice %arg4[%add3A_130, %dma_start3A_134] : memref<1280x512xf32, #tpu.memory_space<hbm>> -> memref<8x512xf32, #tpu.memory_space<hbm>>
    %dma_start3A_136 = arith.constant 0 : i32
    %dma_start3A_137 = tpu.memref_slice %arg4[%add3A_130, %dma_start3A_136] : memref<1280x512xf32, #tpu.memory_space<hbm>> -> memref<8x512xf32, #tpu.memory_space<hbm>>
    %dma_start3A_138 = arith.constant 32 : i32
    %dma_start3A_139 = arith.constant 0 : i32
    %dma_start3A_140 = tpu.memref_slice %arg6[%dma_start3A_138, %dma_start3A_139] : memref<40x512xf32, #tpu.memory_space<vmem>> -> memref<8x512xf32, #tpu.memory_space<vmem>>
    tpu.enqueue_dma source(%dma_start3A_140 : memref<8x512xf32, #tpu.memory_space<vmem>>) target(%dma_start3A_137 : memref<8x512xf32, #tpu.memory_space<hbm>>) target_semaphore(%arg16 : memref<!tpu.dma_semaphore, #tpu.memory_space<semaphore_mem>>)
    %dma_wait3A_141 = arith.constant 0 : i32
    %dma_wait3A_142 = arith.constant 0 : i32
    %dma_wait3A_143 = tpu.memref_slice %arg6[%dma_wait3A_141, %dma_wait3A_142] : memref<40x512xf32, #tpu.memory_space<vmem>> -> memref<8x512xf32, #tpu.memory_space<vmem>>
    %dma_wait3A_144 = arith.constant 0 : i32
    %dma_wait3A_145 = tpu.memref_slice %arg4[%add3A_50, %dma_wait3A_144] : memref<1280x512xf32, #tpu.memory_space<hbm>> -> memref<8x512xf32, #tpu.memory_space<hbm>>
    %dma_wait3A_146 = arith.constant 0 : i32
    %dma_wait3A_147 = tpu.memref_slice %arg4[%add3A_50, %dma_wait3A_146] : memref<1280x512xf32, #tpu.memory_space<hbm>> -> memref<8x512xf32, #tpu.memory_space<hbm>>
    %dma_wait3A_148 = arith.constant 0 : i32
    %dma_wait3A_149 = arith.constant 0 : i32
    %dma_wait3A_150 = tpu.memref_slice %arg6[%dma_wait3A_148, %dma_wait3A_149] : memref<40x512xf32, #tpu.memory_space<vmem>> -> memref<8x512xf32, #tpu.memory_space<vmem>>
    tpu.wait_dma2 semaphore(%arg12 : memref<!tpu.dma_semaphore, #tpu.memory_space<semaphore_mem>>) src(%dma_wait3A_150 : memref<8x512xf32, #tpu.memory_space<vmem>>) dst(%dma_wait3A_147 : memref<8x512xf32, #tpu.memory_space<hbm>>)
    %dma_wait3A_151 = arith.constant 8 : i32
    %dma_wait3A_152 = arith.constant 0 : i32
    %dma_wait3A_153 = tpu.memref_slice %arg6[%dma_wait3A_151, %dma_wait3A_152] : memref<40x512xf32, #tpu.memory_space<vmem>> -> memref<8x512xf32, #tpu.memory_space<vmem>>
    %dma_wait3A_154 = arith.constant 0 : i32
    %dma_wait3A_155 = tpu.memref_slice %arg4[%add3A_70, %dma_wait3A_154] : memref<1280x512xf32, #tpu.memory_space<hbm>> -> memref<8x512xf32, #tpu.memory_space<hbm>>
    %dma_wait3A_156 = arith.constant 0 : i32
    %dma_wait3A_157 = tpu.memref_slice %arg4[%add3A_70, %dma_wait3A_156] : memref<1280x512xf32, #tpu.memory_space<hbm>> -> memref<8x512xf32, #tpu.memory_space<hbm>>
    %dma_wait3A_158 = arith.constant 8 : i32
    %dma_wait3A_159 = arith.constant 0 : i32
    %dma_wait3A_160 = tpu.memref_slice %arg6[%dma_wait3A_158, %dma_wait3A_159] : memref<40x512xf32, #tpu.memory_space<vmem>> -> memref<8x512xf32, #tpu.memory_space<vmem>>
    tpu.wait_dma2 semaphore(%arg13 : memref<!tpu.dma_semaphore, #tpu.memory_space<semaphore_mem>>) src(%dma_wait3A_160 : memref<8x512xf32, #tpu.memory_space<vmem>>) dst(%dma_wait3A_157 : memref<8x512xf32, #tpu.memory_space<hbm>>)
    %dma_wait3A_161 = arith.constant 16 : i32
    %dma_wait3A_162 = arith.constant 0 : i32
    %dma_wait3A_163 = tpu.memref_slice %arg6[%dma_wait3A_161, %dma_wait3A_162] : memref<40x512xf32, #tpu.memory_space<vmem>> -> memref<8x512xf32, #tpu.memory_space<vmem>>
    %dma_wait3A_164 = arith.constant 0 : i32
    %dma_wait3A_165 = tpu.memref_slice %arg4[%add3A_90, %dma_wait3A_164] : memref<1280x512xf32, #tpu.memory_space<hbm>> -> memref<8x512xf32, #tpu.memory_space<hbm>>
    %dma_wait3A_166 = arith.constant 0 : i32
    %dma_wait3A_167 = tpu.memref_slice %arg4[%add3A_90, %dma_wait3A_166] : memref<1280x512xf32, #tpu.memory_space<hbm>> -> memref<8x512xf32, #tpu.memory_space<hbm>>
    %dma_wait3A_168 = arith.constant 16 : i32
    %dma_wait3A_169 = arith.constant 0 : i32
    %dma_wait3A_170 = tpu.memref_slice %arg6[%dma_wait3A_168, %dma_wait3A_169] : memref<40x512xf32, #tpu.memory_space<vmem>> -> memref<8x512xf32, #tpu.memory_space<vmem>>
    tpu.wait_dma2 semaphore(%arg14 : memref<!tpu.dma_semaphore, #tpu.memory_space<semaphore_mem>>) src(%dma_wait3A_170 : memref<8x512xf32, #tpu.memory_space<vmem>>) dst(%dma_wait3A_167 : memref<8x512xf32, #tpu.memory_space<hbm>>)
    %dma_wait3A_171 = arith.constant 24 : i32
    %dma_wait3A_172 = arith.constant 0 : i32
    %dma_wait3A_173 = tpu.memref_slice %arg6[%dma_wait3A_171, %dma_wait3A_172] : memref<40x512xf32, #tpu.memory_space<vmem>> -> memref<8x512xf32, #tpu.memory_space<vmem>>
    %dma_wait3A_174 = arith.constant 0 : i32
    %dma_wait3A_175 = tpu.memref_slice %arg4[%add3A_110, %dma_wait3A_174] : memref<1280x512xf32, #tpu.memory_space<hbm>> -> memref<8x512xf32, #tpu.memory_space<hbm>>
    %dma_wait3A_176 = arith.constant 0 : i32
    %dma_wait3A_177 = tpu.memref_slice %arg4[%add3A_110, %dma_wait3A_176] : memref<1280x512xf32, #tpu.memory_space<hbm>> -> memref<8x512xf32, #tpu.memory_space<hbm>>
    %dma_wait3A_178 = arith.constant 24 : i32
    %dma_wait3A_179 = arith.constant 0 : i32
    %dma_wait3A_180 = tpu.memref_slice %arg6[%dma_wait3A_178, %dma_wait3A_179] : memref<40x512xf32, #tpu.memory_space<vmem>> -> memref<8x512xf32, #tpu.memory_space<vmem>>
    tpu.wait_dma2 semaphore(%arg15 : memref<!tpu.dma_semaphore, #tpu.memory_space<semaphore_mem>>) src(%dma_wait3A_180 : memref<8x512xf32, #tpu.memory_space<vmem>>) dst(%dma_wait3A_177 : memref<8x512xf32, #tpu.memory_space<hbm>>)
    %dma_wait3A_181 = arith.constant 32 : i32
    %dma_wait3A_182 = arith.constant 0 : i32
    %dma_wait3A_183 = tpu.memref_slice %arg6[%dma_wait3A_181, %dma_wait3A_182] : memref<40x512xf32, #tpu.memory_space<vmem>> -> memref<8x512xf32, #tpu.memory_space<vmem>>
    %dma_wait3A_184 = arith.constant 0 : i32
    %dma_wait3A_185 = tpu.memref_slice %arg4[%add3A_130, %dma_wait3A_184] : memref<1280x512xf32, #tpu.memory_space<hbm>> -> memref<8x512xf32, #tpu.memory_space<hbm>>
    %dma_wait3A_186 = arith.constant 0 : i32
    %dma_wait3A_187 = tpu.memref_slice %arg4[%add3A_130, %dma_wait3A_186] : memref<1280x512xf32, #tpu.memory_space<hbm>> -> memref<8x512xf32, #tpu.memory_space<hbm>>
    %dma_wait3A_188 = arith.constant 32 : i32
    %dma_wait3A_189 = arith.constant 0 : i32
    %dma_wait3A_190 = tpu.memref_slice %arg6[%dma_wait3A_188, %dma_wait3A_189] : memref<40x512xf32, #tpu.memory_space<vmem>> -> memref<8x512xf32, #tpu.memory_space<vmem>>
    tpu.wait_dma2 semaphore(%arg16 : memref<!tpu.dma_semaphore, #tpu.memory_space<semaphore_mem>>) src(%dma_wait3A_190 : memref<8x512xf32, #tpu.memory_space<vmem>>) dst(%dma_wait3A_187 : memref<8x512xf32, #tpu.memory_space<hbm>>)
    return
  }
}

module attributes {stable_mosaic.version = 14 : i64} {
  func.func @_am_kernel(%arg0: memref<4096x80xf32, #tpu.memory_space<vmem>>, %arg1: memref<80x512xf32, #tpu.memory_space<vmem>>, %arg2: memref<1x512xf32, #tpu.memory_space<vmem>>, %arg3: memref<512x500xf32, #tpu.memory_space<vmem>>, %arg4: memref<1x500xf32, #tpu.memory_space<vmem>>, %arg5: memref<4096x500xf32, #tpu.memory_space<vmem>>) attributes {dimension_semantics = [], scalar_prefetch = 0 : i64, scratch_operands = 0 : i64, tpu.core_type = #tpu.core_type<tc>} {
    %get3A = arith.constant 0 : index
    %get3A_0 = arith.constant 0 : index
    %get3A_1 = vector.load %arg1[%get3A, %get3A_0] : memref<80x512xf32, #tpu.memory_space<vmem>>, vector<80x512xf32>
    %get3A_2 = arith.constant 0 : index
    %get3A_3 = arith.constant 0 : index
    %get3A_4 = vector.load %arg3[%get3A_2, %get3A_3] : memref<512x500xf32, #tpu.memory_space<vmem>>, vector<512x500xf32>
    %dot_general3A = arith.constant dense<0.000000e+00> : vector<80x500xf32>
    %dot_general3A_5 = tpu.matmul %get3A_1, %get3A_4, %dot_general3A {dimension_numbers = #tpu.dot_dimension_numbers<[1], [0], [0], [1], [0, 0, 1, 1], [], []>, precision = #tpu.contract_precision<fp32>, transpose_lhs_hint = false} : vector<80x512xf32>, vector<512x500xf32>, vector<80x500xf32> -> vector<80x500xf32>
    %get3A_6 = arith.constant 0 : index
    %get3A_7 = arith.constant 0 : index
    %get3A_8 = vector.load %arg2[%get3A_6, %get3A_7] : memref<1x512xf32, #tpu.memory_space<vmem>>, vector<1x512xf32>
    %get3A_9 = arith.constant 0 : index
    %get3A_10 = arith.constant 0 : index
    %get3A_11 = vector.load %arg3[%get3A_9, %get3A_10] : memref<512x500xf32, #tpu.memory_space<vmem>>, vector<512x500xf32>
    %dot_general3A_12 = arith.constant dense<0.000000e+00> : vector<1x500xf32>
    %dot_general3A_13 = tpu.matmul %get3A_8, %get3A_11, %dot_general3A_12 {dimension_numbers = #tpu.dot_dimension_numbers<[1], [0], [0], [1], [0, 0, 1, 1], [], []>, precision = #tpu.contract_precision<fp32>, transpose_lhs_hint = false} : vector<1x512xf32>, vector<512x500xf32>, vector<1x500xf32> -> vector<1x500xf32>
    %get3A_14 = arith.constant 0 : index
    %get3A_15 = arith.constant 0 : index
    %get3A_16 = vector.load %arg4[%get3A_14, %get3A_15] : memref<1x500xf32, #tpu.memory_space<vmem>>, vector<1x500xf32>
    %add3A = arith.addf %dot_general3A_13, %get3A_16 : vector<1x500xf32>
    %get3A_17 = arith.constant 0 : index
    %get3A_18 = arith.constant 0 : index
    %get3A_19 = vector.load %arg0[%get3A_17, %get3A_18] : memref<4096x80xf32, #tpu.memory_space<vmem>>, vector<4096x80xf32>
    %dot_general3A_20 = arith.constant dense<0.000000e+00> : vector<4096x500xf32>
    %dot_general3A_21 = tpu.matmul %get3A_19, %dot_general3A_5, %dot_general3A_20 {dimension_numbers = #tpu.dot_dimension_numbers<[1], [0], [0], [1], [0, 0, 1, 1], [], []>, precision = #tpu.contract_precision<fp32>, transpose_lhs_hint = false} : vector<4096x80xf32>, vector<80x500xf32>, vector<4096x500xf32> -> vector<4096x500xf32>
    %add3A_22 = vector.broadcast %add3A : vector<1x500xf32> to vector<4096x500xf32>
    %add3A_23 = arith.addf %dot_general3A_21, %add3A_22 : vector<4096x500xf32>
    %swap3A = arith.constant 0 : index
    %swap3A_24 = arith.constant 0 : index
    %swap3A_25 = vector.load %arg5[%swap3A, %swap3A_24] : memref<4096x500xf32, #tpu.memory_space<vmem>>, vector<4096x500xf32>
    tpu.vector_store %arg5[%swap3A, %swap3A_24], %add3A_23 {strides = array<i32>} : memref<4096x500xf32, #tpu.memory_space<vmem>>, vector<4096x500xf32>,
    return
  }
}

module attributes {stable_mosaic.version = 14 : i64} {
  func.func @_rnnt_kernel(%arg0: memref<4096x500xf32, #tpu.memory_space<vmem>>, %arg1: memref<8x1xi32, #tpu.memory_space<vmem>>, %arg2: memref<8x1xi32, #tpu.memory_space<vmem>>, %arg3: memref<1280x512xf32, #tpu.memory_space<vmem>>, %arg4: memref<8x129x1xi32, #tpu.memory_space<vmem>>, %arg5: memref<512x500xf32, #tpu.memory_space<vmem>>, %arg6: memref<1x500xf32, #tpu.memory_space<vmem>>, %arg7: memref<1x1xf32, #tpu.memory_space<vmem>>, %arg8: memref<640x8x129xf32, #tpu.memory_space<vmem>>, %arg9: memref<640x8x129xf32, #tpu.memory_space<vmem>>) attributes {dimension_semantics = [], scalar_prefetch = 0 : i64, scratch_operands = 2 : i64, tpu.core_type = #tpu.core_type<tc>} {
    %get3A = arith.constant 0 : index
    %get3A_0 = arith.constant 0 : index
    %get3A_1 = vector.load %arg1[%get3A, %get3A_0] : memref<8x1xi32, #tpu.memory_space<vmem>>, vector<8x1xi32>
    %get3A_2 = arith.constant 0 : index
    %get3A_3 = arith.constant 0 : index
    %get3A_4 = vector.load %arg2[%get3A_2, %get3A_3] : memref<8x1xi32, #tpu.memory_space<vmem>>, vector<8x1xi32>
    %get3A_5 = arith.constant 0 : index
    %get3A_6 = arith.constant 0 : index
    %get3A_7 = vector.load %arg0[%get3A_5, %get3A_6] : memref<4096x500xf32, #tpu.memory_space<vmem>>, vector<4096x500xf32>
    %reduce_max3A = arith.constant dense<0xFF800000> : vector<4096xf32>
    %reduce_max3A_8 = vector.multi_reduction <maximumf>, %get3A_7, %reduce_max3A [1] : vector<4096x500xf32> to vector<4096xf32>
    %broadcast_in_dim3A = vector.shape_cast %reduce_max3A_8 : vector<4096xf32> to vector<4096x1xf32>
    %sub3A = vector.broadcast %broadcast_in_dim3A : vector<4096x1xf32> to vector<4096x500xf32>
    %sub3A_9 = arith.subf %get3A_7, %sub3A : vector<4096x500xf32>
    %exp3A = math.exp %sub3A_9 : vector<4096x500xf32>
    %get3A_10 = arith.constant 0 : index
    %get3A_11 = arith.constant 0 : index
    %get3A_12 = vector.load %arg3[%get3A_10, %get3A_11] : memref<1280x512xf32, #tpu.memory_space<vmem>>, vector<1280x512xf32>
    %slice3A = vector.extract_strided_slice %get3A_12 {offsets = [0, 0], sizes = [1032, 512], strides = [1, 1]} : vector<1280x512xf32> to vector<1032x512xf32>
    %get3A_13 = arith.constant 0 : index
    %get3A_14 = arith.constant 0 : index
    %get3A_15 = vector.load %arg5[%get3A_13, %get3A_14] : memref<512x500xf32, #tpu.memory_space<vmem>>, vector<512x500xf32>
    %dot_general3A = arith.constant dense<0.000000e+00> : vector<1032x500xf32>
    %dot_general3A_16 = tpu.matmul %slice3A, %get3A_15, %dot_general3A {dimension_numbers = #tpu.dot_dimension_numbers<[1], [0], [0], [1], [0, 0, 1, 1], [], []>, precision = #tpu.contract_precision<fp32>, transpose_lhs_hint = false} : vector<1032x512xf32>, vector<512x500xf32>, vector<1032x500xf32> -> vector<1032x500xf32>
    %get3A_17 = arith.constant 0 : index
    %get3A_18 = arith.constant 0 : index
    %get3A_19 = vector.load %arg6[%get3A_17, %get3A_18] : memref<1x500xf32, #tpu.memory_space<vmem>>, vector<1x500xf32>
    %add3A = vector.broadcast %get3A_19 : vector<1x500xf32> to vector<1032x500xf32>
    %add3A_20 = arith.addf %dot_general3A_16, %add3A : vector<1032x500xf32>
    %iota3A = tpu.iota {dimensions = array<i32: 1>} : vector<1x500xi32>
    %eq3A = arith.constant 0 : i32
    %eq3A_21 = vector.broadcast %eq3A : i32 to vector<1x500xi32>
    %eq3A_22 = arith.cmpi eq, %iota3A, %eq3A_21 : vector<1x500xi32>
    %convert_element_type3A = arith.extui %eq3A_22 : vector<1x500xi1> to vector<1x500xi32>
    %convert_element_type3A_23 = arith.sitofp %convert_element_type3A : vector<1x500xi32> to vector<1x500xf32>
    %iota3A_24 = tpu.iota {dimensions = array<i32: 0>} : vector<129x129xi32>
    %iota3A_25 = tpu.iota {dimensions = array<i32: 1>} : vector<129x129xi32>
    %eq3A_26 = arith.cmpi eq, %iota3A_24, %iota3A_25 : vector<129x129xi32>
    %convert_element_type3A_27 = arith.extui %eq3A_26 : vector<129x129xi1> to vector<129x129xi32>
    %convert_element_type3A_28 = arith.sitofp %convert_element_type3A_27 : vector<129x129xi32> to vector<129x129xf32>
    %broadcast_in_dim3A_29 = arith.constant 1.000000e+00 : f32
    %broadcast_in_dim3A_30 = vector.broadcast %broadcast_in_dim3A_29 : f32 to vector<1x129xf32>
    %iota3A_31 = tpu.iota {dimensions = array<i32: 1>} : vector<129x500xi32>
    %get3A_32 = arith.constant 0 : index
    %get3A_33 = arith.constant 0 : index
    %get3A_34 = arith.constant 0 : index
    %get3A_35 = vector.load %arg4[%get3A_32, %get3A_33, %get3A_34] : memref<8x129x1xi32, #tpu.memory_space<vmem>>, vector<1x129x1xi32>
    %get3A_36 = vector.shape_cast %get3A_35 : vector<1x129x1xi32> to vector<129x1xi32>
    %eq3A_37 = vector.broadcast %get3A_36 : vector<129x1xi32> to vector<129x500xi32>
    %eq3A_38 = arith.cmpi eq, %eq3A_37, %iota3A_31 : vector<129x500xi32>
    %convert_element_type3A_39 = arith.extui %eq3A_38 : vector<129x500xi1> to vector<129x500xi32>
    %convert_element_type3A_40 = arith.sitofp %convert_element_type3A_39 : vector<129x500xi32> to vector<129x500xf32>
    %slice3A_41 = vector.extract_strided_slice %add3A_20 {offsets = [0, 0], sizes = [129, 500], strides = [1, 1]} : vector<1032x500xf32> to vector<129x500xf32>
    %reduce_max3A_42 = vector.shape_cast %slice3A_41 : vector<129x500xf32> to vector<1x129x500xf32>
    %reduce_max3A_43 = arith.constant dense<0xFF800000> : vector<1xf32>
    %reduce_max3A_44 = vector.multi_reduction <maximumf>, %reduce_max3A_42, %reduce_max3A_43 [1, 2] : vector<1x129x500xf32> to vector<1xf32>
    %reduce_max3A_45 = vector.shape_cast %reduce_max3A_44 : vector<1xf32> to vector<1x1x1xf32>
    %reduce_max3A_46 = vector.extract %reduce_max3A_45[0, 0, 0] : f32 from vector<1x1x1xf32>
    %sub3A_47 = vector.broadcast %reduce_max3A_46 : f32 to vector<129x500xf32>
    %sub3A_48 = arith.subf %slice3A_41, %sub3A_47 : vector<129x500xf32>
    %exp3A_49 = math.exp %sub3A_48 : vector<129x500xf32>
    %slice3A_50 = vector.extract_strided_slice %get3A_7 {offsets = [0, 0], sizes = [512, 500], strides = [1, 1]} : vector<4096x500xf32> to vector<512x500xf32>
    %slice3A_51 = vector.extract_strided_slice %exp3A {offsets = [0, 0], sizes = [512, 500], strides = [1, 1]} : vector<4096x500xf32> to vector<512x500xf32>
    %slice3A_52 = vector.extract_strided_slice %broadcast_in_dim3A {offsets = [0, 0], sizes = [512, 1], strides = [1, 1]} : vector<4096x1xf32> to vector<512x1xf32>
    %dot_general3A_53 = arith.constant dense<0.000000e+00> : vector<512x129xf32>
    %dot_general3A_54 = tpu.matmul %slice3A_51, %exp3A_49, %dot_general3A_53 {dimension_numbers = #tpu.dot_dimension_numbers<[1], [1], [0], [0], [0, 0, 1, 0], [], []>, precision = #tpu.contract_precision<fp32>, transpose_lhs_hint = false} : vector<512x500xf32>, vector<129x500xf32>, vector<512x129xf32> -> vector<512x129xf32>
    %log3A = math.log %dot_general3A_54 : vector<512x129xf32>
    %add3A_55 = vector.broadcast %slice3A_52 : vector<512x1xf32> to vector<512x129xf32>
    %add3A_56 = arith.addf %log3A, %add3A_55 : vector<512x129xf32>
    %dot_general3A_57 = arith.constant dense<0.000000e+00> : vector<512x129xf32>
    %dot_general3A_58 = tpu.matmul %slice3A_50, %convert_element_type3A_40, %dot_general3A_57 {dimension_numbers = #tpu.dot_dimension_numbers<[1], [1], [0], [0], [0, 0, 1, 0], [], []>, precision = #tpu.contract_precision<fp32>, transpose_lhs_hint = false} : vector<512x500xf32>, vector<129x500xf32>, vector<512x129xf32> -> vector<512x129xf32>
    %slice3A_59 = vector.extract_strided_slice %slice3A_50 {offsets = [0, 0], sizes = [512, 1], strides = [1, 1]} : vector<512x500xf32> to vector<512x1xf32>
    %sub3A_60 = vector.broadcast %slice3A_59 : vector<512x1xf32> to vector<512x129xf32>
    %sub3A_61 = arith.subf %sub3A_60, %add3A_56 : vector<512x129xf32>
    %reshape3A = vector.shape_cast %sub3A_61 : vector<512x129xf32> to vector<512x1x129xf32>
    %sub3A_62 = arith.subf %dot_general3A_58, %add3A_56 : vector<512x129xf32>
    %reshape3A_63 = vector.shape_cast %sub3A_62 : vector<512x129xf32> to vector<512x1x129xf32>
    %dot_general3A_64 = arith.constant dense<0.000000e+00> : vector<1x129xf32>
    %dot_general3A_65 = tpu.matmul %convert_element_type3A_23, %slice3A_41, %dot_general3A_64 {dimension_numbers = #tpu.dot_dimension_numbers<[1], [1], [0], [0], [0, 0, 1, 0], [], []>, precision = #tpu.contract_precision<fp32>, transpose_lhs_hint = false} : vector<1x500xf32>, vector<129x500xf32>, vector<1x129xf32> -> vector<1x129xf32>
    %mul3A = arith.mulf %slice3A_41, %convert_element_type3A_40 : vector<129x500xf32>
    %reduce_sum3A = arith.constant dense<0.000000e+00> : vector<129xf32>
    %reduce_sum3A_66 = vector.multi_reduction <add>, %mul3A, %reduce_sum3A [1] : vector<129x500xf32> to vector<129xf32>
    %broadcast_in_dim3A_67 = vector.shape_cast %reduce_sum3A_66 : vector<129xf32> to vector<129x1xf32>
    %mul3A_68 = vector.broadcast %broadcast_in_dim3A_67 : vector<129x1xf32> to vector<129x129xf32>
    %mul3A_69 = arith.mulf %convert_element_type3A_28, %mul3A_68 : vector<129x129xf32>
    %dot_general3A_70 = arith.constant dense<0.000000e+00> : vector<1x129xf32>
    %dot_general3A_71 = tpu.matmul %broadcast_in_dim3A_30, %mul3A_69, %dot_general3A_70 {dimension_numbers = #tpu.dot_dimension_numbers<[1], [0], [0], [1], [0, 0, 1, 1], [], []>, precision = #tpu.contract_precision<fp32>, transpose_lhs_hint = false} : vector<1x129xf32>, vector<129x129xf32>, vector<1x129xf32> -> vector<1x129xf32>
    %reshape3A_72 = vector.broadcast %reduce_max3A_46 : f32 to vector<1x1xf32>
    %get3A_73 = arith.constant 1 : index
    %get3A_74 = arith.constant 0 : index
    %get3A_75 = arith.constant 0 : index
    %get3A_76 = vector.load %arg4[%get3A_73, %get3A_74, %get3A_75] : memref<8x129x1xi32, #tpu.memory_space<vmem>>, vector<1x129x1xi32>
    %get3A_77 = vector.shape_cast %get3A_76 : vector<1x129x1xi32> to vector<129x1xi32>
    %eq3A_78 = vector.broadcast %get3A_77 : vector<129x1xi32> to vector<129x500xi32>
    %eq3A_79 = arith.cmpi eq, %eq3A_78, %iota3A_31 : vector<129x500xi32>
    %convert_element_type3A_80 = arith.extui %eq3A_79 : vector<129x500xi1> to vector<129x500xi32>
    %convert_element_type3A_81 = arith.sitofp %convert_element_type3A_80 : vector<129x500xi32> to vector<129x500xf32>
    %slice3A_82 = vector.extract_strided_slice %add3A_20 {offsets = [129, 0], sizes = [129, 500], strides = [1, 1]} : vector<1032x500xf32> to vector<129x500xf32>
    %reduce_max3A_83 = vector.shape_cast %slice3A_82 : vector<129x500xf32> to vector<1x129x500xf32>
    %reduce_max3A_84 = arith.constant dense<0xFF800000> : vector<1xf32>
    %reduce_max3A_85 = vector.multi_reduction <maximumf>, %reduce_max3A_83, %reduce_max3A_84 [1, 2] : vector<1x129x500xf32> to vector<1xf32>
    %reduce_max3A_86 = vector.shape_cast %reduce_max3A_85 : vector<1xf32> to vector<1x1x1xf32>
    %reduce_max3A_87 = vector.extract %reduce_max3A_86[0, 0, 0] : f32 from vector<1x1x1xf32>
    %sub3A_88 = vector.broadcast %reduce_max3A_87 : f32 to vector<129x500xf32>
    %sub3A_89 = arith.subf %slice3A_82, %sub3A_88 : vector<129x500xf32>
    %exp3A_90 = math.exp %sub3A_89 : vector<129x500xf32>
    %slice3A_91 = vector.extract_strided_slice %get3A_7 {offsets = [512, 0], sizes = [512, 500], strides = [1, 1]} : vector<4096x500xf32> to vector<512x500xf32>
    %slice3A_92 = vector.extract_strided_slice %exp3A {offsets = [512, 0], sizes = [512, 500], strides = [1, 1]} : vector<4096x500xf32> to vector<512x500xf32>
    %slice3A_93 = vector.extract_strided_slice %broadcast_in_dim3A {offsets = [512, 0], sizes = [512, 1], strides = [1, 1]} : vector<4096x1xf32> to vector<512x1xf32>
    %dot_general3A_94 = arith.constant dense<0.000000e+00> : vector<512x129xf32>
    %dot_general3A_95 = tpu.matmul %slice3A_92, %exp3A_90, %dot_general3A_94 {dimension_numbers = #tpu.dot_dimension_numbers<[1], [1], [0], [0], [0, 0, 1, 0], [], []>, precision = #tpu.contract_precision<fp32>, transpose_lhs_hint = false} : vector<512x500xf32>, vector<129x500xf32>, vector<512x129xf32> -> vector<512x129xf32>
    %log3A_96 = math.log %dot_general3A_95 : vector<512x129xf32>
    %add3A_97 = vector.broadcast %slice3A_93 : vector<512x1xf32> to vector<512x129xf32>
    %add3A_98 = arith.addf %log3A_96, %add3A_97 : vector<512x129xf32>
    %dot_general3A_99 = arith.constant dense<0.000000e+00> : vector<512x129xf32>
    %dot_general3A_100 = tpu.matmul %slice3A_91, %convert_element_type3A_81, %dot_general3A_99 {dimension_numbers = #tpu.dot_dimension_numbers<[1], [1], [0], [0], [0, 0, 1, 0], [], []>, precision = #tpu.contract_precision<fp32>, transpose_lhs_hint = false} : vector<512x500xf32>, vector<129x500xf32>, vector<512x129xf32> -> vector<512x129xf32>
    %slice3A_101 = vector.extract_strided_slice %slice3A_91 {offsets = [0, 0], sizes = [512, 1], strides = [1, 1]} : vector<512x500xf32> to vector<512x1xf32>
    %sub3A_102 = vector.broadcast %slice3A_101 : vector<512x1xf32> to vector<512x129xf32>
    %sub3A_103 = arith.subf %sub3A_102, %add3A_98 : vector<512x129xf32>
    %reshape3A_104 = vector.shape_cast %sub3A_103 : vector<512x129xf32> to vector<512x1x129xf32>
    %sub3A_105 = arith.subf %dot_general3A_100, %add3A_98 : vector<512x129xf32>
    %reshape3A_106 = vector.shape_cast %sub3A_105 : vector<512x129xf32> to vector<512x1x129xf32>
    %dot_general3A_107 = arith.constant dense<0.000000e+00> : vector<1x129xf32>
    %dot_general3A_108 = tpu.matmul %convert_element_type3A_23, %slice3A_82, %dot_general3A_107 {dimension_numbers = #tpu.dot_dimension_numbers<[1], [1], [0], [0], [0, 0, 1, 0], [], []>, precision = #tpu.contract_precision<fp32>, transpose_lhs_hint = false} : vector<1x500xf32>, vector<129x500xf32>, vector<1x129xf32> -> vector<1x129xf32>
    %mul3A_109 = arith.mulf %slice3A_82, %convert_element_type3A_81 : vector<129x500xf32>
    %reduce_sum3A_110 = arith.constant dense<0.000000e+00> : vector<129xf32>
    %reduce_sum3A_111 = vector.multi_reduction <add>, %mul3A_109, %reduce_sum3A_110 [1] : vector<129x500xf32> to vector<129xf32>
    %broadcast_in_dim3A_112 = vector.shape_cast %reduce_sum3A_111 : vector<129xf32> to vector<129x1xf32>
    %mul3A_113 = vector.broadcast %broadcast_in_dim3A_112 : vector<129x1xf32> to vector<129x129xf32>
    %mul3A_114 = arith.mulf %convert_element_type3A_28, %mul3A_113 : vector<129x129xf32>
    %dot_general3A_115 = arith.constant dense<0.000000e+00> : vector<1x129xf32>
    %dot_general3A_116 = tpu.matmul %broadcast_in_dim3A_30, %mul3A_114, %dot_general3A_115 {dimension_numbers = #tpu.dot_dimension_numbers<[1], [0], [0], [1], [0, 0, 1, 1], [], []>, precision = #tpu.contract_precision<fp32>, transpose_lhs_hint = false} : vector<1x129xf32>, vector<129x129xf32>, vector<1x129xf32> -> vector<1x129xf32>
    %reshape3A_117 = vector.broadcast %reduce_max3A_87 : f32 to vector<1x1xf32>
    %get3A_118 = arith.constant 2 : index
    %get3A_119 = arith.constant 0 : index
    %get3A_120 = arith.constant 0 : index
    %get3A_121 = vector.load %arg4[%get3A_118, %get3A_119, %get3A_120] : memref<8x129x1xi32, #tpu.memory_space<vmem>>, vector<1x129x1xi32>
    %get3A_122 = vector.shape_cast %get3A_121 : vector<1x129x1xi32> to vector<129x1xi32>
    %eq3A_123 = vector.broadcast %get3A_122 : vector<129x1xi32> to vector<129x500xi32>
    %eq3A_124 = arith.cmpi eq, %eq3A_123, %iota3A_31 : vector<129x500xi32>
    %convert_element_type3A_125 = arith.extui %eq3A_124 : vector<129x500xi1> to vector<129x500xi32>
    %convert_element_type3A_126 = arith.sitofp %convert_element_type3A_125 : vector<129x500xi32> to vector<129x500xf32>
    %slice3A_127 = vector.extract_strided_slice %add3A_20 {offsets = [258, 0], sizes = [129, 500], strides = [1, 1]} : vector<1032x500xf32> to vector<129x500xf32>
    %reduce_max3A_128 = vector.shape_cast %slice3A_127 : vector<129x500xf32> to vector<1x129x500xf32>
    %reduce_max3A_129 = arith.constant dense<0xFF800000> : vector<1xf32>
    %reduce_max3A_130 = vector.multi_reduction <maximumf>, %reduce_max3A_128, %reduce_max3A_129 [1, 2] : vector<1x129x500xf32> to vector<1xf32>
    %reduce_max3A_131 = vector.shape_cast %reduce_max3A_130 : vector<1xf32> to vector<1x1x1xf32>
    %reduce_max3A_132 = vector.extract %reduce_max3A_131[0, 0, 0] : f32 from vector<1x1x1xf32>
    %sub3A_133 = vector.broadcast %reduce_max3A_132 : f32 to vector<129x500xf32>
    %sub3A_134 = arith.subf %slice3A_127, %sub3A_133 : vector<129x500xf32>
    %exp3A_135 = math.exp %sub3A_134 : vector<129x500xf32>
    %slice3A_136 = vector.extract_strided_slice %get3A_7 {offsets = [1024, 0], sizes = [512, 500], strides = [1, 1]} : vector<4096x500xf32> to vector<512x500xf32>
    %slice3A_137 = vector.extract_strided_slice %exp3A {offsets = [1024, 0], sizes = [512, 500], strides = [1, 1]} : vector<4096x500xf32> to vector<512x500xf32>
    %slice3A_138 = vector.extract_strided_slice %broadcast_in_dim3A {offsets = [1024, 0], sizes = [512, 1], strides = [1, 1]} : vector<4096x1xf32> to vector<512x1xf32>
    %dot_general3A_139 = arith.constant dense<0.000000e+00> : vector<512x129xf32>
    %dot_general3A_140 = tpu.matmul %slice3A_137, %exp3A_135, %dot_general3A_139 {dimension_numbers = #tpu.dot_dimension_numbers<[1], [1], [0], [0], [0, 0, 1, 0], [], []>, precision = #tpu.contract_precision<fp32>, transpose_lhs_hint = false} : vector<512x500xf32>, vector<129x500xf32>, vector<512x129xf32> -> vector<512x129xf32>
    %log3A_141 = math.log %dot_general3A_140 : vector<512x129xf32>
    %add3A_142 = vector.broadcast %slice3A_138 : vector<512x1xf32> to vector<512x129xf32>
    %add3A_143 = arith.addf %log3A_141, %add3A_142 : vector<512x129xf32>
    %dot_general3A_144 = arith.constant dense<0.000000e+00> : vector<512x129xf32>
    %dot_general3A_145 = tpu.matmul %slice3A_136, %convert_element_type3A_126, %dot_general3A_144 {dimension_numbers = #tpu.dot_dimension_numbers<[1], [1], [0], [0], [0, 0, 1, 0], [], []>, precision = #tpu.contract_precision<fp32>, transpose_lhs_hint = false} : vector<512x500xf32>, vector<129x500xf32>, vector<512x129xf32> -> vector<512x129xf32>
    %slice3A_146 = vector.extract_strided_slice %slice3A_136 {offsets = [0, 0], sizes = [512, 1], strides = [1, 1]} : vector<512x500xf32> to vector<512x1xf32>
    %sub3A_147 = vector.broadcast %slice3A_146 : vector<512x1xf32> to vector<512x129xf32>
    %sub3A_148 = arith.subf %sub3A_147, %add3A_143 : vector<512x129xf32>
    %reshape3A_149 = vector.shape_cast %sub3A_148 : vector<512x129xf32> to vector<512x1x129xf32>
    %sub3A_150 = arith.subf %dot_general3A_145, %add3A_143 : vector<512x129xf32>
    %reshape3A_151 = vector.shape_cast %sub3A_150 : vector<512x129xf32> to vector<512x1x129xf32>
    %dot_general3A_152 = arith.constant dense<0.000000e+00> : vector<1x129xf32>
    %dot_general3A_153 = tpu.matmul %convert_element_type3A_23, %slice3A_127, %dot_general3A_152 {dimension_numbers = #tpu.dot_dimension_numbers<[1], [1], [0], [0], [0, 0, 1, 0], [], []>, precision = #tpu.contract_precision<fp32>, transpose_lhs_hint = false} : vector<1x500xf32>, vector<129x500xf32>, vector<1x129xf32> -> vector<1x129xf32>
    %mul3A_154 = arith.mulf %slice3A_127, %convert_element_type3A_126 : vector<129x500xf32>
    %reduce_sum3A_155 = arith.constant dense<0.000000e+00> : vector<129xf32>
    %reduce_sum3A_156 = vector.multi_reduction <add>, %mul3A_154, %reduce_sum3A_155 [1] : vector<129x500xf32> to vector<129xf32>
    %broadcast_in_dim3A_157 = vector.shape_cast %reduce_sum3A_156 : vector<129xf32> to vector<129x1xf32>
    %mul3A_158 = vector.broadcast %broadcast_in_dim3A_157 : vector<129x1xf32> to vector<129x129xf32>
    %mul3A_159 = arith.mulf %convert_element_type3A_28, %mul3A_158 : vector<129x129xf32>
    %dot_general3A_160 = arith.constant dense<0.000000e+00> : vector<1x129xf32>
    %dot_general3A_161 = tpu.matmul %broadcast_in_dim3A_30, %mul3A_159, %dot_general3A_160 {dimension_numbers = #tpu.dot_dimension_numbers<[1], [0], [0], [1], [0, 0, 1, 1], [], []>, precision = #tpu.contract_precision<fp32>, transpose_lhs_hint = false} : vector<1x129xf32>, vector<129x129xf32>, vector<1x129xf32> -> vector<1x129xf32>
    %reshape3A_162 = vector.broadcast %reduce_max3A_132 : f32 to vector<1x1xf32>
    %get3A_163 = arith.constant 3 : index
    %get3A_164 = arith.constant 0 : index
    %get3A_165 = arith.constant 0 : index
    %get3A_166 = vector.load %arg4[%get3A_163, %get3A_164, %get3A_165] : memref<8x129x1xi32, #tpu.memory_space<vmem>>, vector<1x129x1xi32>
    %get3A_167 = vector.shape_cast %get3A_166 : vector<1x129x1xi32> to vector<129x1xi32>
    %eq3A_168 = vector.broadcast %get3A_167 : vector<129x1xi32> to vector<129x500xi32>
    %eq3A_169 = arith.cmpi eq, %eq3A_168, %iota3A_31 : vector<129x500xi32>
    %convert_element_type3A_170 = arith.extui %eq3A_169 : vector<129x500xi1> to vector<129x500xi32>
    %convert_element_type3A_171 = arith.sitofp %convert_element_type3A_170 : vector<129x500xi32> to vector<129x500xf32>
    %slice3A_172 = vector.extract_strided_slice %add3A_20 {offsets = [387, 0], sizes = [129, 500], strides = [1, 1]} : vector<1032x500xf32> to vector<129x500xf32>
    %reduce_max3A_173 = vector.shape_cast %slice3A_172 : vector<129x500xf32> to vector<1x129x500xf32>
    %reduce_max3A_174 = arith.constant dense<0xFF800000> : vector<1xf32>
    %reduce_max3A_175 = vector.multi_reduction <maximumf>, %reduce_max3A_173, %reduce_max3A_174 [1, 2] : vector<1x129x500xf32> to vector<1xf32>
    %reduce_max3A_176 = vector.shape_cast %reduce_max3A_175 : vector<1xf32> to vector<1x1x1xf32>
    %reduce_max3A_177 = vector.extract %reduce_max3A_176[0, 0, 0] : f32 from vector<1x1x1xf32>
    %sub3A_178 = vector.broadcast %reduce_max3A_177 : f32 to vector<129x500xf32>
    %sub3A_179 = arith.subf %slice3A_172, %sub3A_178 : vector<129x500xf32>
    %exp3A_180 = math.exp %sub3A_179 : vector<129x500xf32>
    %slice3A_181 = vector.extract_strided_slice %get3A_7 {offsets = [1536, 0], sizes = [512, 500], strides = [1, 1]} : vector<4096x500xf32> to vector<512x500xf32>
    %slice3A_182 = vector.extract_strided_slice %exp3A {offsets = [1536, 0], sizes = [512, 500], strides = [1, 1]} : vector<4096x500xf32> to vector<512x500xf32>
    %slice3A_183 = vector.extract_strided_slice %broadcast_in_dim3A {offsets = [1536, 0], sizes = [512, 1], strides = [1, 1]} : vector<4096x1xf32> to vector<512x1xf32>
    %dot_general3A_184 = arith.constant dense<0.000000e+00> : vector<512x129xf32>
    %dot_general3A_185 = tpu.matmul %slice3A_182, %exp3A_180, %dot_general3A_184 {dimension_numbers = #tpu.dot_dimension_numbers<[1], [1], [0], [0], [0, 0, 1, 0], [], []>, precision = #tpu.contract_precision<fp32>, transpose_lhs_hint = false} : vector<512x500xf32>, vector<129x500xf32>, vector<512x129xf32> -> vector<512x129xf32>
    %log3A_186 = math.log %dot_general3A_185 : vector<512x129xf32>
    %add3A_187 = vector.broadcast %slice3A_183 : vector<512x1xf32> to vector<512x129xf32>
    %add3A_188 = arith.addf %log3A_186, %add3A_187 : vector<512x129xf32>
    %dot_general3A_189 = arith.constant dense<0.000000e+00> : vector<512x129xf32>
    %dot_general3A_190 = tpu.matmul %slice3A_181, %convert_element_type3A_171, %dot_general3A_189 {dimension_numbers = #tpu.dot_dimension_numbers<[1], [1], [0], [0], [0, 0, 1, 0], [], []>, precision = #tpu.contract_precision<fp32>, transpose_lhs_hint = false} : vector<512x500xf32>, vector<129x500xf32>, vector<512x129xf32> -> vector<512x129xf32>
    %slice3A_191 = vector.extract_strided_slice %slice3A_181 {offsets = [0, 0], sizes = [512, 1], strides = [1, 1]} : vector<512x500xf32> to vector<512x1xf32>
    %sub3A_192 = vector.broadcast %slice3A_191 : vector<512x1xf32> to vector<512x129xf32>
    %sub3A_193 = arith.subf %sub3A_192, %add3A_188 : vector<512x129xf32>
    %reshape3A_194 = vector.shape_cast %sub3A_193 : vector<512x129xf32> to vector<512x1x129xf32>
    %sub3A_195 = arith.subf %dot_general3A_190, %add3A_188 : vector<512x129xf32>
    %reshape3A_196 = vector.shape_cast %sub3A_195 : vector<512x129xf32> to vector<512x1x129xf32>
    %dot_general3A_197 = arith.constant dense<0.000000e+00> : vector<1x129xf32>
    %dot_general3A_198 = tpu.matmul %convert_element_type3A_23, %slice3A_172, %dot_general3A_197 {dimension_numbers = #tpu.dot_dimension_numbers<[1], [1], [0], [0], [0, 0, 1, 0], [], []>, precision = #tpu.contract_precision<fp32>, transpose_lhs_hint = false} : vector<1x500xf32>, vector<129x500xf32>, vector<1x129xf32> -> vector<1x129xf32>
    %mul3A_199 = arith.mulf %slice3A_172, %convert_element_type3A_171 : vector<129x500xf32>
    %reduce_sum3A_200 = arith.constant dense<0.000000e+00> : vector<129xf32>
    %reduce_sum3A_201 = vector.multi_reduction <add>, %mul3A_199, %reduce_sum3A_200 [1] : vector<129x500xf32> to vector<129xf32>
    %broadcast_in_dim3A_202 = vector.shape_cast %reduce_sum3A_201 : vector<129xf32> to vector<129x1xf32>
    %mul3A_203 = vector.broadcast %broadcast_in_dim3A_202 : vector<129x1xf32> to vector<129x129xf32>
    %mul3A_204 = arith.mulf %convert_element_type3A_28, %mul3A_203 : vector<129x129xf32>
    %dot_general3A_205 = arith.constant dense<0.000000e+00> : vector<1x129xf32>
    %dot_general3A_206 = tpu.matmul %broadcast_in_dim3A_30, %mul3A_204, %dot_general3A_205 {dimension_numbers = #tpu.dot_dimension_numbers<[1], [0], [0], [1], [0, 0, 1, 1], [], []>, precision = #tpu.contract_precision<fp32>, transpose_lhs_hint = false} : vector<1x129xf32>, vector<129x129xf32>, vector<1x129xf32> -> vector<1x129xf32>
    %reshape3A_207 = vector.broadcast %reduce_max3A_177 : f32 to vector<1x1xf32>
    %get3A_208 = arith.constant 4 : index
    %get3A_209 = arith.constant 0 : index
    %get3A_210 = arith.constant 0 : index
    %get3A_211 = vector.load %arg4[%get3A_208, %get3A_209, %get3A_210] : memref<8x129x1xi32, #tpu.memory_space<vmem>>, vector<1x129x1xi32>
    %get3A_212 = vector.shape_cast %get3A_211 : vector<1x129x1xi32> to vector<129x1xi32>
    %eq3A_213 = vector.broadcast %get3A_212 : vector<129x1xi32> to vector<129x500xi32>
    %eq3A_214 = arith.cmpi eq, %eq3A_213, %iota3A_31 : vector<129x500xi32>
    %convert_element_type3A_215 = arith.extui %eq3A_214 : vector<129x500xi1> to vector<129x500xi32>
    %convert_element_type3A_216 = arith.sitofp %convert_element_type3A_215 : vector<129x500xi32> to vector<129x500xf32>
    %slice3A_217 = vector.extract_strided_slice %add3A_20 {offsets = [516, 0], sizes = [129, 500], strides = [1, 1]} : vector<1032x500xf32> to vector<129x500xf32>
    %reduce_max3A_218 = vector.shape_cast %slice3A_217 : vector<129x500xf32> to vector<1x129x500xf32>
    %reduce_max3A_219 = arith.constant dense<0xFF800000> : vector<1xf32>
    %reduce_max3A_220 = vector.multi_reduction <maximumf>, %reduce_max3A_218, %reduce_max3A_219 [1, 2] : vector<1x129x500xf32> to vector<1xf32>
    %reduce_max3A_221 = vector.shape_cast %reduce_max3A_220 : vector<1xf32> to vector<1x1x1xf32>
    %reduce_max3A_222 = vector.extract %reduce_max3A_221[0, 0, 0] : f32 from vector<1x1x1xf32>
    %sub3A_223 = vector.broadcast %reduce_max3A_222 : f32 to vector<129x500xf32>
    %sub3A_224 = arith.subf %slice3A_217, %sub3A_223 : vector<129x500xf32>
    %exp3A_225 = math.exp %sub3A_224 : vector<129x500xf32>
    %slice3A_226 = vector.extract_strided_slice %get3A_7 {offsets = [2048, 0], sizes = [512, 500], strides = [1, 1]} : vector<4096x500xf32> to vector<512x500xf32>
    %slice3A_227 = vector.extract_strided_slice %exp3A {offsets = [2048, 0], sizes = [512, 500], strides = [1, 1]} : vector<4096x500xf32> to vector<512x500xf32>
    %slice3A_228 = vector.extract_strided_slice %broadcast_in_dim3A {offsets = [2048, 0], sizes = [512, 1], strides = [1, 1]} : vector<4096x1xf32> to vector<512x1xf32>
    %dot_general3A_229 = arith.constant dense<0.000000e+00> : vector<512x129xf32>
    %dot_general3A_230 = tpu.matmul %slice3A_227, %exp3A_225, %dot_general3A_229 {dimension_numbers = #tpu.dot_dimension_numbers<[1], [1], [0], [0], [0, 0, 1, 0], [], []>, precision = #tpu.contract_precision<fp32>, transpose_lhs_hint = false} : vector<512x500xf32>, vector<129x500xf32>, vector<512x129xf32> -> vector<512x129xf32>
    %log3A_231 = math.log %dot_general3A_230 : vector<512x129xf32>
    %add3A_232 = vector.broadcast %slice3A_228 : vector<512x1xf32> to vector<512x129xf32>
    %add3A_233 = arith.addf %log3A_231, %add3A_232 : vector<512x129xf32>
    %dot_general3A_234 = arith.constant dense<0.000000e+00> : vector<512x129xf32>
    %dot_general3A_235 = tpu.matmul %slice3A_226, %convert_element_type3A_216, %dot_general3A_234 {dimension_numbers = #tpu.dot_dimension_numbers<[1], [1], [0], [0], [0, 0, 1, 0], [], []>, precision = #tpu.contract_precision<fp32>, transpose_lhs_hint = false} : vector<512x500xf32>, vector<129x500xf32>, vector<512x129xf32> -> vector<512x129xf32>
    %slice3A_236 = vector.extract_strided_slice %slice3A_226 {offsets = [0, 0], sizes = [512, 1], strides = [1, 1]} : vector<512x500xf32> to vector<512x1xf32>
    %sub3A_237 = vector.broadcast %slice3A_236 : vector<512x1xf32> to vector<512x129xf32>
    %sub3A_238 = arith.subf %sub3A_237, %add3A_233 : vector<512x129xf32>
    %reshape3A_239 = vector.shape_cast %sub3A_238 : vector<512x129xf32> to vector<512x1x129xf32>
    %sub3A_240 = arith.subf %dot_general3A_235, %add3A_233 : vector<512x129xf32>
    %reshape3A_241 = vector.shape_cast %sub3A_240 : vector<512x129xf32> to vector<512x1x129xf32>
    %dot_general3A_242 = arith.constant dense<0.000000e+00> : vector<1x129xf32>
    %dot_general3A_243 = tpu.matmul %convert_element_type3A_23, %slice3A_217, %dot_general3A_242 {dimension_numbers = #tpu.dot_dimension_numbers<[1], [1], [0], [0], [0, 0, 1, 0], [], []>, precision = #tpu.contract_precision<fp32>, transpose_lhs_hint = false} : vector<1x500xf32>, vector<129x500xf32>, vector<1x129xf32> -> vector<1x129xf32>
    %mul3A_244 = arith.mulf %slice3A_217, %convert_element_type3A_216 : vector<129x500xf32>
    %reduce_sum3A_245 = arith.constant dense<0.000000e+00> : vector<129xf32>
    %reduce_sum3A_246 = vector.multi_reduction <add>, %mul3A_244, %reduce_sum3A_245 [1] : vector<129x500xf32> to vector<129xf32>
    %broadcast_in_dim3A_247 = vector.shape_cast %reduce_sum3A_246 : vector<129xf32> to vector<129x1xf32>
    %mul3A_248 = vector.broadcast %broadcast_in_dim3A_247 : vector<129x1xf32> to vector<129x129xf32>
    %mul3A_249 = arith.mulf %convert_element_type3A_28, %mul3A_248 : vector<129x129xf32>
    %dot_general3A_250 = arith.constant dense<0.000000e+00> : vector<1x129xf32>
    %dot_general3A_251 = tpu.matmul %broadcast_in_dim3A_30, %mul3A_249, %dot_general3A_250 {dimension_numbers = #tpu.dot_dimension_numbers<[1], [0], [0], [1], [0, 0, 1, 1], [], []>, precision = #tpu.contract_precision<fp32>, transpose_lhs_hint = false} : vector<1x129xf32>, vector<129x129xf32>, vector<1x129xf32> -> vector<1x129xf32>
    %reshape3A_252 = vector.broadcast %reduce_max3A_222 : f32 to vector<1x1xf32>
    %get3A_253 = arith.constant 5 : index
    %get3A_254 = arith.constant 0 : index
    %get3A_255 = arith.constant 0 : index
    %get3A_256 = vector.load %arg4[%get3A_253, %get3A_254, %get3A_255] : memref<8x129x1xi32, #tpu.memory_space<vmem>>, vector<1x129x1xi32>
    %get3A_257 = vector.shape_cast %get3A_256 : vector<1x129x1xi32> to vector<129x1xi32>
    %eq3A_258 = vector.broadcast %get3A_257 : vector<129x1xi32> to vector<129x500xi32>
    %eq3A_259 = arith.cmpi eq, %eq3A_258, %iota3A_31 : vector<129x500xi32>
    %convert_element_type3A_260 = arith.extui %eq3A_259 : vector<129x500xi1> to vector<129x500xi32>
    %convert_element_type3A_261 = arith.sitofp %convert_element_type3A_260 : vector<129x500xi32> to vector<129x500xf32>
    %slice3A_262 = vector.extract_strided_slice %add3A_20 {offsets = [645, 0], sizes = [129, 500], strides = [1, 1]} : vector<1032x500xf32> to vector<129x500xf32>
    %reduce_max3A_263 = vector.shape_cast %slice3A_262 : vector<129x500xf32> to vector<1x129x500xf32>
    %reduce_max3A_264 = arith.constant dense<0xFF800000> : vector<1xf32>
    %reduce_max3A_265 = vector.multi_reduction <maximumf>, %reduce_max3A_263, %reduce_max3A_264 [1, 2] : vector<1x129x500xf32> to vector<1xf32>
    %reduce_max3A_266 = vector.shape_cast %reduce_max3A_265 : vector<1xf32> to vector<1x1x1xf32>
    %reduce_max3A_267 = vector.extract %reduce_max3A_266[0, 0, 0] : f32 from vector<1x1x1xf32>
    %sub3A_268 = vector.broadcast %reduce_max3A_267 : f32 to vector<129x500xf32>
    %sub3A_269 = arith.subf %slice3A_262, %sub3A_268 : vector<129x500xf32>
    %exp3A_270 = math.exp %sub3A_269 : vector<129x500xf32>
    %slice3A_271 = vector.extract_strided_slice %get3A_7 {offsets = [2560, 0], sizes = [512, 500], strides = [1, 1]} : vector<4096x500xf32> to vector<512x500xf32>
    %slice3A_272 = vector.extract_strided_slice %exp3A {offsets = [2560, 0], sizes = [512, 500], strides = [1, 1]} : vector<4096x500xf32> to vector<512x500xf32>
    %slice3A_273 = vector.extract_strided_slice %broadcast_in_dim3A {offsets = [2560, 0], sizes = [512, 1], strides = [1, 1]} : vector<4096x1xf32> to vector<512x1xf32>
    %dot_general3A_274 = arith.constant dense<0.000000e+00> : vector<512x129xf32>
    %dot_general3A_275 = tpu.matmul %slice3A_272, %exp3A_270, %dot_general3A_274 {dimension_numbers = #tpu.dot_dimension_numbers<[1], [1], [0], [0], [0, 0, 1, 0], [], []>, precision = #tpu.contract_precision<fp32>, transpose_lhs_hint = false} : vector<512x500xf32>, vector<129x500xf32>, vector<512x129xf32> -> vector<512x129xf32>
    %log3A_276 = math.log %dot_general3A_275 : vector<512x129xf32>
    %add3A_277 = vector.broadcast %slice3A_273 : vector<512x1xf32> to vector<512x129xf32>
    %add3A_278 = arith.addf %log3A_276, %add3A_277 : vector<512x129xf32>
    %dot_general3A_279 = arith.constant dense<0.000000e+00> : vector<512x129xf32>
    %dot_general3A_280 = tpu.matmul %slice3A_271, %convert_element_type3A_261, %dot_general3A_279 {dimension_numbers = #tpu.dot_dimension_numbers<[1], [1], [0], [0], [0, 0, 1, 0], [], []>, precision = #tpu.contract_precision<fp32>, transpose_lhs_hint = false} : vector<512x500xf32>, vector<129x500xf32>, vector<512x129xf32> -> vector<512x129xf32>
    %slice3A_281 = vector.extract_strided_slice %slice3A_271 {offsets = [0, 0], sizes = [512, 1], strides = [1, 1]} : vector<512x500xf32> to vector<512x1xf32>
    %sub3A_282 = vector.broadcast %slice3A_281 : vector<512x1xf32> to vector<512x129xf32>
    %sub3A_283 = arith.subf %sub3A_282, %add3A_278 : vector<512x129xf32>
    %reshape3A_284 = vector.shape_cast %sub3A_283 : vector<512x129xf32> to vector<512x1x129xf32>
    %sub3A_285 = arith.subf %dot_general3A_280, %add3A_278 : vector<512x129xf32>
    %reshape3A_286 = vector.shape_cast %sub3A_285 : vector<512x129xf32> to vector<512x1x129xf32>
    %dot_general3A_287 = arith.constant dense<0.000000e+00> : vector<1x129xf32>
    %dot_general3A_288 = tpu.matmul %convert_element_type3A_23, %slice3A_262, %dot_general3A_287 {dimension_numbers = #tpu.dot_dimension_numbers<[1], [1], [0], [0], [0, 0, 1, 0], [], []>, precision = #tpu.contract_precision<fp32>, transpose_lhs_hint = false} : vector<1x500xf32>, vector<129x500xf32>, vector<1x129xf32> -> vector<1x129xf32>
    %mul3A_289 = arith.mulf %slice3A_262, %convert_element_type3A_261 : vector<129x500xf32>
    %reduce_sum3A_290 = arith.constant dense<0.000000e+00> : vector<129xf32>
    %reduce_sum3A_291 = vector.multi_reduction <add>, %mul3A_289, %reduce_sum3A_290 [1] : vector<129x500xf32> to vector<129xf32>
    %broadcast_in_dim3A_292 = vector.shape_cast %reduce_sum3A_291 : vector<129xf32> to vector<129x1xf32>
    %mul3A_293 = vector.broadcast %broadcast_in_dim3A_292 : vector<129x1xf32> to vector<129x129xf32>
    %mul3A_294 = arith.mulf %convert_element_type3A_28, %mul3A_293 : vector<129x129xf32>
    %dot_general3A_295 = arith.constant dense<0.000000e+00> : vector<1x129xf32>
    %dot_general3A_296 = tpu.matmul %broadcast_in_dim3A_30, %mul3A_294, %dot_general3A_295 {dimension_numbers = #tpu.dot_dimension_numbers<[1], [0], [0], [1], [0, 0, 1, 1], [], []>, precision = #tpu.contract_precision<fp32>, transpose_lhs_hint = false} : vector<1x129xf32>, vector<129x129xf32>, vector<1x129xf32> -> vector<1x129xf32>
    %reshape3A_297 = vector.broadcast %reduce_max3A_267 : f32 to vector<1x1xf32>
    %get3A_298 = arith.constant 6 : index
    %get3A_299 = arith.constant 0 : index
    %get3A_300 = arith.constant 0 : index
    %get3A_301 = vector.load %arg4[%get3A_298, %get3A_299, %get3A_300] : memref<8x129x1xi32, #tpu.memory_space<vmem>>, vector<1x129x1xi32>
    %get3A_302 = vector.shape_cast %get3A_301 : vector<1x129x1xi32> to vector<129x1xi32>
    %eq3A_303 = vector.broadcast %get3A_302 : vector<129x1xi32> to vector<129x500xi32>
    %eq3A_304 = arith.cmpi eq, %eq3A_303, %iota3A_31 : vector<129x500xi32>
    %convert_element_type3A_305 = arith.extui %eq3A_304 : vector<129x500xi1> to vector<129x500xi32>
    %convert_element_type3A_306 = arith.sitofp %convert_element_type3A_305 : vector<129x500xi32> to vector<129x500xf32>
    %slice3A_307 = vector.extract_strided_slice %add3A_20 {offsets = [774, 0], sizes = [129, 500], strides = [1, 1]} : vector<1032x500xf32> to vector<129x500xf32>
    %reduce_max3A_308 = vector.shape_cast %slice3A_307 : vector<129x500xf32> to vector<1x129x500xf32>
    %reduce_max3A_309 = arith.constant dense<0xFF800000> : vector<1xf32>
    %reduce_max3A_310 = vector.multi_reduction <maximumf>, %reduce_max3A_308, %reduce_max3A_309 [1, 2] : vector<1x129x500xf32> to vector<1xf32>
    %reduce_max3A_311 = vector.shape_cast %reduce_max3A_310 : vector<1xf32> to vector<1x1x1xf32>
    %reduce_max3A_312 = vector.extract %reduce_max3A_311[0, 0, 0] : f32 from vector<1x1x1xf32>
    %sub3A_313 = vector.broadcast %reduce_max3A_312 : f32 to vector<129x500xf32>
    %sub3A_314 = arith.subf %slice3A_307, %sub3A_313 : vector<129x500xf32>
    %exp3A_315 = math.exp %sub3A_314 : vector<129x500xf32>
    %slice3A_316 = vector.extract_strided_slice %get3A_7 {offsets = [3072, 0], sizes = [512, 500], strides = [1, 1]} : vector<4096x500xf32> to vector<512x500xf32>
    %slice3A_317 = vector.extract_strided_slice %exp3A {offsets = [3072, 0], sizes = [512, 500], strides = [1, 1]} : vector<4096x500xf32> to vector<512x500xf32>
    %slice3A_318 = vector.extract_strided_slice %broadcast_in_dim3A {offsets = [3072, 0], sizes = [512, 1], strides = [1, 1]} : vector<4096x1xf32> to vector<512x1xf32>
    %dot_general3A_319 = arith.constant dense<0.000000e+00> : vector<512x129xf32>
    %dot_general3A_320 = tpu.matmul %slice3A_317, %exp3A_315, %dot_general3A_319 {dimension_numbers = #tpu.dot_dimension_numbers<[1], [1], [0], [0], [0, 0, 1, 0], [], []>, precision = #tpu.contract_precision<fp32>, transpose_lhs_hint = false} : vector<512x500xf32>, vector<129x500xf32>, vector<512x129xf32> -> vector<512x129xf32>
    %log3A_321 = math.log %dot_general3A_320 : vector<512x129xf32>
    %add3A_322 = vector.broadcast %slice3A_318 : vector<512x1xf32> to vector<512x129xf32>
    %add3A_323 = arith.addf %log3A_321, %add3A_322 : vector<512x129xf32>
    %dot_general3A_324 = arith.constant dense<0.000000e+00> : vector<512x129xf32>
    %dot_general3A_325 = tpu.matmul %slice3A_316, %convert_element_type3A_306, %dot_general3A_324 {dimension_numbers = #tpu.dot_dimension_numbers<[1], [1], [0], [0], [0, 0, 1, 0], [], []>, precision = #tpu.contract_precision<fp32>, transpose_lhs_hint = false} : vector<512x500xf32>, vector<129x500xf32>, vector<512x129xf32> -> vector<512x129xf32>
    %slice3A_326 = vector.extract_strided_slice %slice3A_316 {offsets = [0, 0], sizes = [512, 1], strides = [1, 1]} : vector<512x500xf32> to vector<512x1xf32>
    %sub3A_327 = vector.broadcast %slice3A_326 : vector<512x1xf32> to vector<512x129xf32>
    %sub3A_328 = arith.subf %sub3A_327, %add3A_323 : vector<512x129xf32>
    %reshape3A_329 = vector.shape_cast %sub3A_328 : vector<512x129xf32> to vector<512x1x129xf32>
    %sub3A_330 = arith.subf %dot_general3A_325, %add3A_323 : vector<512x129xf32>
    %reshape3A_331 = vector.shape_cast %sub3A_330 : vector<512x129xf32> to vector<512x1x129xf32>
    %dot_general3A_332 = arith.constant dense<0.000000e+00> : vector<1x129xf32>
    %dot_general3A_333 = tpu.matmul %convert_element_type3A_23, %slice3A_307, %dot_general3A_332 {dimension_numbers = #tpu.dot_dimension_numbers<[1], [1], [0], [0], [0, 0, 1, 0], [], []>, precision = #tpu.contract_precision<fp32>, transpose_lhs_hint = false} : vector<1x500xf32>, vector<129x500xf32>, vector<1x129xf32> -> vector<1x129xf32>
    %mul3A_334 = arith.mulf %slice3A_307, %convert_element_type3A_306 : vector<129x500xf32>
    %reduce_sum3A_335 = arith.constant dense<0.000000e+00> : vector<129xf32>
    %reduce_sum3A_336 = vector.multi_reduction <add>, %mul3A_334, %reduce_sum3A_335 [1] : vector<129x500xf32> to vector<129xf32>
    %broadcast_in_dim3A_337 = vector.shape_cast %reduce_sum3A_336 : vector<129xf32> to vector<129x1xf32>
    %mul3A_338 = vector.broadcast %broadcast_in_dim3A_337 : vector<129x1xf32> to vector<129x129xf32>
    %mul3A_339 = arith.mulf %convert_element_type3A_28, %mul3A_338 : vector<129x129xf32>
    %dot_general3A_340 = arith.constant dense<0.000000e+00> : vector<1x129xf32>
    %dot_general3A_341 = tpu.matmul %broadcast_in_dim3A_30, %mul3A_339, %dot_general3A_340 {dimension_numbers = #tpu.dot_dimension_numbers<[1], [0], [0], [1], [0, 0, 1, 1], [], []>, precision = #tpu.contract_precision<fp32>, transpose_lhs_hint = false} : vector<1x129xf32>, vector<129x129xf32>, vector<1x129xf32> -> vector<1x129xf32>
    %reshape3A_342 = vector.broadcast %reduce_max3A_312 : f32 to vector<1x1xf32>
    %get3A_343 = arith.constant 7 : index
    %get3A_344 = arith.constant 0 : index
    %get3A_345 = arith.constant 0 : index
    %get3A_346 = vector.load %arg4[%get3A_343, %get3A_344, %get3A_345] : memref<8x129x1xi32, #tpu.memory_space<vmem>>, vector<1x129x1xi32>
    %get3A_347 = vector.shape_cast %get3A_346 : vector<1x129x1xi32> to vector<129x1xi32>
    %eq3A_348 = vector.broadcast %get3A_347 : vector<129x1xi32> to vector<129x500xi32>
    %eq3A_349 = arith.cmpi eq, %eq3A_348, %iota3A_31 : vector<129x500xi32>
    %convert_element_type3A_350 = arith.extui %eq3A_349 : vector<129x500xi1> to vector<129x500xi32>
    %convert_element_type3A_351 = arith.sitofp %convert_element_type3A_350 : vector<129x500xi32> to vector<129x500xf32>
    %slice3A_352 = vector.extract_strided_slice %add3A_20 {offsets = [903, 0], sizes = [129, 500], strides = [1, 1]} : vector<1032x500xf32> to vector<129x500xf32>
    %reduce_max3A_353 = vector.shape_cast %slice3A_352 : vector<129x500xf32> to vector<1x129x500xf32>
    %reduce_max3A_354 = arith.constant dense<0xFF800000> : vector<1xf32>
    %reduce_max3A_355 = vector.multi_reduction <maximumf>, %reduce_max3A_353, %reduce_max3A_354 [1, 2] : vector<1x129x500xf32> to vector<1xf32>
    %reduce_max3A_356 = vector.shape_cast %reduce_max3A_355 : vector<1xf32> to vector<1x1x1xf32>
    %reduce_max3A_357 = vector.extract %reduce_max3A_356[0, 0, 0] : f32 from vector<1x1x1xf32>
    %sub3A_358 = vector.broadcast %reduce_max3A_357 : f32 to vector<129x500xf32>
    %sub3A_359 = arith.subf %slice3A_352, %sub3A_358 : vector<129x500xf32>
    %exp3A_360 = math.exp %sub3A_359 : vector<129x500xf32>
    %slice3A_361 = vector.extract_strided_slice %get3A_7 {offsets = [3584, 0], sizes = [512, 500], strides = [1, 1]} : vector<4096x500xf32> to vector<512x500xf32>
    %slice3A_362 = vector.extract_strided_slice %exp3A {offsets = [3584, 0], sizes = [512, 500], strides = [1, 1]} : vector<4096x500xf32> to vector<512x500xf32>
    %slice3A_363 = vector.extract_strided_slice %broadcast_in_dim3A {offsets = [3584, 0], sizes = [512, 1], strides = [1, 1]} : vector<4096x1xf32> to vector<512x1xf32>
    %dot_general3A_364 = arith.constant dense<0.000000e+00> : vector<512x129xf32>
    %dot_general3A_365 = tpu.matmul %slice3A_362, %exp3A_360, %dot_general3A_364 {dimension_numbers = #tpu.dot_dimension_numbers<[1], [1], [0], [0], [0, 0, 1, 0], [], []>, precision = #tpu.contract_precision<fp32>, transpose_lhs_hint = false} : vector<512x500xf32>, vector<129x500xf32>, vector<512x129xf32> -> vector<512x129xf32>
    %log3A_366 = math.log %dot_general3A_365 : vector<512x129xf32>
    %add3A_367 = vector.broadcast %slice3A_363 : vector<512x1xf32> to vector<512x129xf32>
    %add3A_368 = arith.addf %log3A_366, %add3A_367 : vector<512x129xf32>
    %dot_general3A_369 = arith.constant dense<0.000000e+00> : vector<512x129xf32>
    %dot_general3A_370 = tpu.matmul %slice3A_361, %convert_element_type3A_351, %dot_general3A_369 {dimension_numbers = #tpu.dot_dimension_numbers<[1], [1], [0], [0], [0, 0, 1, 0], [], []>, precision = #tpu.contract_precision<fp32>, transpose_lhs_hint = false} : vector<512x500xf32>, vector<129x500xf32>, vector<512x129xf32> -> vector<512x129xf32>
    %slice3A_371 = vector.extract_strided_slice %slice3A_361 {offsets = [0, 0], sizes = [512, 1], strides = [1, 1]} : vector<512x500xf32> to vector<512x1xf32>
    %sub3A_372 = vector.broadcast %slice3A_371 : vector<512x1xf32> to vector<512x129xf32>
    %sub3A_373 = arith.subf %sub3A_372, %add3A_368 : vector<512x129xf32>
    %reshape3A_374 = vector.shape_cast %sub3A_373 : vector<512x129xf32> to vector<512x1x129xf32>
    %sub3A_375 = arith.subf %dot_general3A_370, %add3A_368 : vector<512x129xf32>
    %reshape3A_376 = vector.shape_cast %sub3A_375 : vector<512x129xf32> to vector<512x1x129xf32>
    %dot_general3A_377 = arith.constant dense<0.000000e+00> : vector<1x129xf32>
    %dot_general3A_378 = tpu.matmul %convert_element_type3A_23, %slice3A_352, %dot_general3A_377 {dimension_numbers = #tpu.dot_dimension_numbers<[1], [1], [0], [0], [0, 0, 1, 0], [], []>, precision = #tpu.contract_precision<fp32>, transpose_lhs_hint = false} : vector<1x500xf32>, vector<129x500xf32>, vector<1x129xf32> -> vector<1x129xf32>
    %mul3A_379 = arith.mulf %slice3A_352, %convert_element_type3A_351 : vector<129x500xf32>
    %reduce_sum3A_380 = arith.constant dense<0.000000e+00> : vector<129xf32>
    %reduce_sum3A_381 = vector.multi_reduction <add>, %mul3A_379, %reduce_sum3A_380 [1] : vector<129x500xf32> to vector<129xf32>
    %broadcast_in_dim3A_382 = vector.shape_cast %reduce_sum3A_381 : vector<129xf32> to vector<129x1xf32>
    %mul3A_383 = vector.broadcast %broadcast_in_dim3A_382 : vector<129x1xf32> to vector<129x129xf32>
    %mul3A_384 = arith.mulf %convert_element_type3A_28, %mul3A_383 : vector<129x129xf32>
    %dot_general3A_385 = arith.constant dense<0.000000e+00> : vector<1x129xf32>
    %dot_general3A_386 = tpu.matmul %broadcast_in_dim3A_30, %mul3A_384, %dot_general3A_385 {dimension_numbers = #tpu.dot_dimension_numbers<[1], [0], [0], [1], [0, 0, 1, 1], [], []>, precision = #tpu.contract_precision<fp32>, transpose_lhs_hint = false} : vector<1x129xf32>, vector<129x129xf32>, vector<1x129xf32> -> vector<1x129xf32>
    %reshape3A_387 = vector.broadcast %reduce_max3A_357 : f32 to vector<1x1xf32>
    %concatenate3A = tpu.concatenate %reshape3A, %reshape3A_104, %reshape3A_149, %reshape3A_194, %reshape3A_239, %reshape3A_284, %reshape3A_329, %reshape3A_374 in 1 : vector<512x1x129xf32>, vector<512x1x129xf32>, vector<512x1x129xf32>, vector<512x1x129xf32>, vector<512x1x129xf32>, vector<512x1x129xf32>, vector<512x1x129xf32>, vector<512x1x129xf32> -> vector<512x8x129xf32>
    %concatenate3A_388 = tpu.concatenate %reshape3A_63, %reshape3A_106, %reshape3A_151, %reshape3A_196, %reshape3A_241, %reshape3A_286, %reshape3A_331, %reshape3A_376 in 1 : vector<512x1x129xf32>, vector<512x1x129xf32>, vector<512x1x129xf32>, vector<512x1x129xf32>, vector<512x1x129xf32>, vector<512x1x129xf32>, vector<512x1x129xf32>, vector<512x1x129xf32> -> vector<512x8x129xf32>
    %concatenate3A_389 = tpu.concatenate %dot_general3A_65, %dot_general3A_108, %dot_general3A_153, %dot_general3A_198, %dot_general3A_243, %dot_general3A_288, %dot_general3A_333, %dot_general3A_378 in 0 : vector<1x129xf32>, vector<1x129xf32>, vector<1x129xf32>, vector<1x129xf32>, vector<1x129xf32>, vector<1x129xf32>, vector<1x129xf32>, vector<1x129xf32> -> vector<8x129xf32>
    %concatenate3A_390 = tpu.concatenate %dot_general3A_71, %dot_general3A_116, %dot_general3A_161, %dot_general3A_206, %dot_general3A_251, %dot_general3A_296, %dot_general3A_341, %dot_general3A_386 in 0 : vector<1x129xf32>, vector<1x129xf32>, vector<1x129xf32>, vector<1x129xf32>, vector<1x129xf32>, vector<1x129xf32>, vector<1x129xf32>, vector<1x129xf32> -> vector<8x129xf32>
    %concatenate3A_391 = tpu.concatenate %reshape3A_72, %reshape3A_117, %reshape3A_162, %reshape3A_207, %reshape3A_252, %reshape3A_297, %reshape3A_342, %reshape3A_387 in 0 : vector<1x1xf32>, vector<1x1xf32>, vector<1x1xf32>, vector<1x1xf32>, vector<1x1xf32>, vector<1x1xf32>, vector<1x1xf32>, vector<1x1xf32> -> vector<8x1xf32>
    %broadcast_in_dim3A_392 = arith.constant -1.000000e+30 : f32
    %broadcast_in_dim3A_393 = vector.broadcast %broadcast_in_dim3A_392 : f32 to vector<128x8x129xf32>
    %concatenate3A_394 = tpu.concatenate %concatenate3A, %broadcast_in_dim3A_393 in 0 : vector<512x8x129xf32>, vector<128x8x129xf32> -> vector<640x8x129xf32>
    %concatenate3A_395 = tpu.concatenate %concatenate3A_388, %broadcast_in_dim3A_393 in 0 : vector<512x8x129xf32>, vector<128x8x129xf32> -> vector<640x8x129xf32>
    %iota3A_396 = tpu.iota {dimensions = array<i32: 2>} : vector<1x1x129xi32>
    %and3A = arith.constant 1 : i32
    %and3A_397 = vector.broadcast %and3A : i32 to vector<1x1x129xi32>
    %and3A_398 = arith.andi %iota3A_396, %and3A_397 : vector<1x1x129xi32>
    %ne3A = arith.constant 0 : i32
    %ne3A_399 = vector.broadcast %ne3A : i32 to vector<1x1x129xi32>
    %ne3A_400 = arith.cmpi ne, %and3A_398, %ne3A_399 : vector<1x1x129xi32>
    %broadcast_in_dim3A_401 = arith.constant -1.000000e+30 : f32
    %broadcast_in_dim3A_402 = vector.broadcast %broadcast_in_dim3A_401 : f32 to vector<1x8x129xf32>
    %slice3A_403 = vector.extract_strided_slice %concatenate3A_394 {offsets = [0, 0, 0], sizes = [639, 8, 129], strides = [1, 1, 1]} : vector<640x8x129xf32> to vector<639x8x129xf32>
    %concatenate3A_404 = tpu.concatenate %broadcast_in_dim3A_402, %slice3A_403 in 0 : vector<1x8x129xf32>, vector<639x8x129xf32> -> vector<640x8x129xf32>
    %broadcast_in_dim3A_405 = vector.shape_cast %ne3A_400 : vector<1x1x129xi1> to vector<1x1x129xi1>
    %broadcast_in_dim3A_406 = vector.broadcast %broadcast_in_dim3A_405 : vector<1x1x129xi1> to vector<640x8x129xi1>
    %select_n3A = arith.select %broadcast_in_dim3A_406, %concatenate3A_404, %concatenate3A_394 : vector<640x8x129xi1>, vector<640x8x129xf32>
    %slice3A_407 = vector.extract_strided_slice %concatenate3A_395 {offsets = [0, 0, 0], sizes = [639, 8, 129], strides = [1, 1, 1]} : vector<640x8x129xf32> to vector<639x8x129xf32>
    %concatenate3A_408 = tpu.concatenate %broadcast_in_dim3A_402, %slice3A_407 in 0 : vector<1x8x129xf32>, vector<639x8x129xf32> -> vector<640x8x129xf32>
    %broadcast_in_dim3A_409 = vector.shape_cast %ne3A_400 : vector<1x1x129xi1> to vector<1x1x129xi1>
    %broadcast_in_dim3A_410 = vector.broadcast %broadcast_in_dim3A_409 : vector<1x1x129xi1> to vector<640x8x129xi1>
    %select_n3A_411 = arith.select %broadcast_in_dim3A_410, %concatenate3A_408, %concatenate3A_395 : vector<640x8x129xi1>, vector<640x8x129xf32>
    %and3A_412 = arith.constant 2 : i32
    %and3A_413 = vector.broadcast %and3A_412 : i32 to vector<1x1x129xi32>
    %and3A_414 = arith.andi %iota3A_396, %and3A_413 : vector<1x1x129xi32>
    %ne3A_415 = arith.constant 0 : i32
    %ne3A_416 = vector.broadcast %ne3A_415 : i32 to vector<1x1x129xi32>
    %ne3A_417 = arith.cmpi ne, %and3A_414, %ne3A_416 : vector<1x1x129xi32>
    %broadcast_in_dim3A_418 = arith.constant -1.000000e+30 : f32
    %broadcast_in_dim3A_419 = vector.broadcast %broadcast_in_dim3A_418 : f32 to vector<2x8x129xf32>
    %slice3A_420 = vector.extract_strided_slice %select_n3A {offsets = [0, 0, 0], sizes = [638, 8, 129], strides = [1, 1, 1]} : vector<640x8x129xf32> to vector<638x8x129xf32>
    %concatenate3A_421 = tpu.concatenate %broadcast_in_dim3A_419, %slice3A_420 in 0 : vector<2x8x129xf32>, vector<638x8x129xf32> -> vector<640x8x129xf32>
    %broadcast_in_dim3A_422 = vector.shape_cast %ne3A_417 : vector<1x1x129xi1> to vector<1x1x129xi1>
    %broadcast_in_dim3A_423 = vector.broadcast %broadcast_in_dim3A_422 : vector<1x1x129xi1> to vector<640x8x129xi1>
    %select_n3A_424 = arith.select %broadcast_in_dim3A_423, %concatenate3A_421, %select_n3A : vector<640x8x129xi1>, vector<640x8x129xf32>
    %slice3A_425 = vector.extract_strided_slice %select_n3A_411 {offsets = [0, 0, 0], sizes = [638, 8, 129], strides = [1, 1, 1]} : vector<640x8x129xf32> to vector<638x8x129xf32>
    %concatenate3A_426 = tpu.concatenate %broadcast_in_dim3A_419, %slice3A_425 in 0 : vector<2x8x129xf32>, vector<638x8x129xf32> -> vector<640x8x129xf32>
    %broadcast_in_dim3A_427 = vector.shape_cast %ne3A_417 : vector<1x1x129xi1> to vector<1x1x129xi1>
    %broadcast_in_dim3A_428 = vector.broadcast %broadcast_in_dim3A_427 : vector<1x1x129xi1> to vector<640x8x129xi1>
    %select_n3A_429 = arith.select %broadcast_in_dim3A_428, %concatenate3A_426, %select_n3A_411 : vector<640x8x129xi1>, vector<640x8x129xf32>
    %and3A_430 = arith.constant 4 : i32
    %and3A_431 = vector.broadcast %and3A_430 : i32 to vector<1x1x129xi32>
    %and3A_432 = arith.andi %iota3A_396, %and3A_431 : vector<1x1x129xi32>
    %ne3A_433 = arith.constant 0 : i32
    %ne3A_434 = vector.broadcast %ne3A_433 : i32 to vector<1x1x129xi32>
    %ne3A_435 = arith.cmpi ne, %and3A_432, %ne3A_434 : vector<1x1x129xi32>
    %broadcast_in_dim3A_436 = arith.constant -1.000000e+30 : f32
    %broadcast_in_dim3A_437 = vector.broadcast %broadcast_in_dim3A_436 : f32 to vector<4x8x129xf32>
    %slice3A_438 = vector.extract_strided_slice %select_n3A_424 {offsets = [0, 0, 0], sizes = [636, 8, 129], strides = [1, 1, 1]} : vector<640x8x129xf32> to vector<636x8x129xf32>
    %concatenate3A_439 = tpu.concatenate %broadcast_in_dim3A_437, %slice3A_438 in 0 : vector<4x8x129xf32>, vector<636x8x129xf32> -> vector<640x8x129xf32>
    %broadcast_in_dim3A_440 = vector.shape_cast %ne3A_435 : vector<1x1x129xi1> to vector<1x1x129xi1>
    %broadcast_in_dim3A_441 = vector.broadcast %broadcast_in_dim3A_440 : vector<1x1x129xi1> to vector<640x8x129xi1>
    %select_n3A_442 = arith.select %broadcast_in_dim3A_441, %concatenate3A_439, %select_n3A_424 : vector<640x8x129xi1>, vector<640x8x129xf32>
    %slice3A_443 = vector.extract_strided_slice %select_n3A_429 {offsets = [0, 0, 0], sizes = [636, 8, 129], strides = [1, 1, 1]} : vector<640x8x129xf32> to vector<636x8x129xf32>
    %concatenate3A_444 = tpu.concatenate %broadcast_in_dim3A_437, %slice3A_443 in 0 : vector<4x8x129xf32>, vector<636x8x129xf32> -> vector<640x8x129xf32>
    %broadcast_in_dim3A_445 = vector.shape_cast %ne3A_435 : vector<1x1x129xi1> to vector<1x1x129xi1>
    %broadcast_in_dim3A_446 = vector.broadcast %broadcast_in_dim3A_445 : vector<1x1x129xi1> to vector<640x8x129xi1>
    %select_n3A_447 = arith.select %broadcast_in_dim3A_446, %concatenate3A_444, %select_n3A_429 : vector<640x8x129xi1>, vector<640x8x129xf32>
    %and3A_448 = arith.constant 8 : i32
    %and3A_449 = vector.broadcast %and3A_448 : i32 to vector<1x1x129xi32>
    %and3A_450 = arith.andi %iota3A_396, %and3A_449 : vector<1x1x129xi32>
    %ne3A_451 = arith.constant 0 : i32
    %ne3A_452 = vector.broadcast %ne3A_451 : i32 to vector<1x1x129xi32>
    %ne3A_453 = arith.cmpi ne, %and3A_450, %ne3A_452 : vector<1x1x129xi32>
    %broadcast_in_dim3A_454 = arith.constant -1.000000e+30 : f32
    %broadcast_in_dim3A_455 = vector.broadcast %broadcast_in_dim3A_454 : f32 to vector<8x8x129xf32>
    %slice3A_456 = vector.extract_strided_slice %select_n3A_442 {offsets = [0, 0, 0], sizes = [632, 8, 129], strides = [1, 1, 1]} : vector<640x8x129xf32> to vector<632x8x129xf32>
    %concatenate3A_457 = tpu.concatenate %broadcast_in_dim3A_455, %slice3A_456 in 0 : vector<8x8x129xf32>, vector<632x8x129xf32> -> vector<640x8x129xf32>
    %broadcast_in_dim3A_458 = vector.shape_cast %ne3A_453 : vector<1x1x129xi1> to vector<1x1x129xi1>
    %broadcast_in_dim3A_459 = vector.broadcast %broadcast_in_dim3A_458 : vector<1x1x129xi1> to vector<640x8x129xi1>
    %select_n3A_460 = arith.select %broadcast_in_dim3A_459, %concatenate3A_457, %select_n3A_442 : vector<640x8x129xi1>, vector<640x8x129xf32>
    %slice3A_461 = vector.extract_strided_slice %select_n3A_447 {offsets = [0, 0, 0], sizes = [632, 8, 129], strides = [1, 1, 1]} : vector<640x8x129xf32> to vector<632x8x129xf32>
    %concatenate3A_462 = tpu.concatenate %broadcast_in_dim3A_455, %slice3A_461 in 0 : vector<8x8x129xf32>, vector<632x8x129xf32> -> vector<640x8x129xf32>
    %broadcast_in_dim3A_463 = vector.shape_cast %ne3A_453 : vector<1x1x129xi1> to vector<1x1x129xi1>
    %broadcast_in_dim3A_464 = vector.broadcast %broadcast_in_dim3A_463 : vector<1x1x129xi1> to vector<640x8x129xi1>
    %select_n3A_465 = arith.select %broadcast_in_dim3A_464, %concatenate3A_462, %select_n3A_447 : vector<640x8x129xi1>, vector<640x8x129xf32>
    %and3A_466 = arith.constant 16 : i32
    %and3A_467 = vector.broadcast %and3A_466 : i32 to vector<1x1x129xi32>
    %and3A_468 = arith.andi %iota3A_396, %and3A_467 : vector<1x1x129xi32>
    %ne3A_469 = arith.constant 0 : i32
    %ne3A_470 = vector.broadcast %ne3A_469 : i32 to vector<1x1x129xi32>
    %ne3A_471 = arith.cmpi ne, %and3A_468, %ne3A_470 : vector<1x1x129xi32>
    %broadcast_in_dim3A_472 = arith.constant -1.000000e+30 : f32
    %broadcast_in_dim3A_473 = vector.broadcast %broadcast_in_dim3A_472 : f32 to vector<16x8x129xf32>
    %slice3A_474 = vector.extract_strided_slice %select_n3A_460 {offsets = [0, 0, 0], sizes = [624, 8, 129], strides = [1, 1, 1]} : vector<640x8x129xf32> to vector<624x8x129xf32>
    %concatenate3A_475 = tpu.concatenate %broadcast_in_dim3A_473, %slice3A_474 in 0 : vector<16x8x129xf32>, vector<624x8x129xf32> -> vector<640x8x129xf32>
    %broadcast_in_dim3A_476 = vector.shape_cast %ne3A_471 : vector<1x1x129xi1> to vector<1x1x129xi1>
    %broadcast_in_dim3A_477 = vector.broadcast %broadcast_in_dim3A_476 : vector<1x1x129xi1> to vector<640x8x129xi1>
    %select_n3A_478 = arith.select %broadcast_in_dim3A_477, %concatenate3A_475, %select_n3A_460 : vector<640x8x129xi1>, vector<640x8x129xf32>
    %slice3A_479 = vector.extract_strided_slice %select_n3A_465 {offsets = [0, 0, 0], sizes = [624, 8, 129], strides = [1, 1, 1]} : vector<640x8x129xf32> to vector<624x8x129xf32>
    %concatenate3A_480 = tpu.concatenate %broadcast_in_dim3A_473, %slice3A_479 in 0 : vector<16x8x129xf32>, vector<624x8x129xf32> -> vector<640x8x129xf32>
    %broadcast_in_dim3A_481 = vector.shape_cast %ne3A_471 : vector<1x1x129xi1> to vector<1x1x129xi1>
    %broadcast_in_dim3A_482 = vector.broadcast %broadcast_in_dim3A_481 : vector<1x1x129xi1> to vector<640x8x129xi1>
    %select_n3A_483 = arith.select %broadcast_in_dim3A_482, %concatenate3A_480, %select_n3A_465 : vector<640x8x129xi1>, vector<640x8x129xf32>
    %and3A_484 = arith.constant 32 : i32
    %and3A_485 = vector.broadcast %and3A_484 : i32 to vector<1x1x129xi32>
    %and3A_486 = arith.andi %iota3A_396, %and3A_485 : vector<1x1x129xi32>
    %ne3A_487 = arith.constant 0 : i32
    %ne3A_488 = vector.broadcast %ne3A_487 : i32 to vector<1x1x129xi32>
    %ne3A_489 = arith.cmpi ne, %and3A_486, %ne3A_488 : vector<1x1x129xi32>
    %broadcast_in_dim3A_490 = arith.constant -1.000000e+30 : f32
    %broadcast_in_dim3A_491 = vector.broadcast %broadcast_in_dim3A_490 : f32 to vector<32x8x129xf32>
    %slice3A_492 = vector.extract_strided_slice %select_n3A_478 {offsets = [0, 0, 0], sizes = [608, 8, 129], strides = [1, 1, 1]} : vector<640x8x129xf32> to vector<608x8x129xf32>
    %concatenate3A_493 = tpu.concatenate %broadcast_in_dim3A_491, %slice3A_492 in 0 : vector<32x8x129xf32>, vector<608x8x129xf32> -> vector<640x8x129xf32>
    %broadcast_in_dim3A_494 = vector.shape_cast %ne3A_489 : vector<1x1x129xi1> to vector<1x1x129xi1>
    %broadcast_in_dim3A_495 = vector.broadcast %broadcast_in_dim3A_494 : vector<1x1x129xi1> to vector<640x8x129xi1>
    %select_n3A_496 = arith.select %broadcast_in_dim3A_495, %concatenate3A_493, %select_n3A_478 : vector<640x8x129xi1>, vector<640x8x129xf32>
    %slice3A_497 = vector.extract_strided_slice %select_n3A_483 {offsets = [0, 0, 0], sizes = [608, 8, 129], strides = [1, 1, 1]} : vector<640x8x129xf32> to vector<608x8x129xf32>
    %concatenate3A_498 = tpu.concatenate %broadcast_in_dim3A_491, %slice3A_497 in 0 : vector<32x8x129xf32>, vector<608x8x129xf32> -> vector<640x8x129xf32>
    %broadcast_in_dim3A_499 = vector.shape_cast %ne3A_489 : vector<1x1x129xi1> to vector<1x1x129xi1>
    %broadcast_in_dim3A_500 = vector.broadcast %broadcast_in_dim3A_499 : vector<1x1x129xi1> to vector<640x8x129xi1>
    %select_n3A_501 = arith.select %broadcast_in_dim3A_500, %concatenate3A_498, %select_n3A_483 : vector<640x8x129xi1>, vector<640x8x129xf32>
    %and3A_502 = arith.constant 64 : i32
    %and3A_503 = vector.broadcast %and3A_502 : i32 to vector<1x1x129xi32>
    %and3A_504 = arith.andi %iota3A_396, %and3A_503 : vector<1x1x129xi32>
    %ne3A_505 = arith.constant 0 : i32
    %ne3A_506 = vector.broadcast %ne3A_505 : i32 to vector<1x1x129xi32>
    %ne3A_507 = arith.cmpi ne, %and3A_504, %ne3A_506 : vector<1x1x129xi32>
    %broadcast_in_dim3A_508 = arith.constant -1.000000e+30 : f32
    %broadcast_in_dim3A_509 = vector.broadcast %broadcast_in_dim3A_508 : f32 to vector<64x8x129xf32>
    %slice3A_510 = vector.extract_strided_slice %select_n3A_496 {offsets = [0, 0, 0], sizes = [576, 8, 129], strides = [1, 1, 1]} : vector<640x8x129xf32> to vector<576x8x129xf32>
    %concatenate3A_511 = tpu.concatenate %broadcast_in_dim3A_509, %slice3A_510 in 0 : vector<64x8x129xf32>, vector<576x8x129xf32> -> vector<640x8x129xf32>
    %broadcast_in_dim3A_512 = vector.shape_cast %ne3A_507 : vector<1x1x129xi1> to vector<1x1x129xi1>
    %broadcast_in_dim3A_513 = vector.broadcast %broadcast_in_dim3A_512 : vector<1x1x129xi1> to vector<640x8x129xi1>
    %select_n3A_514 = arith.select %broadcast_in_dim3A_513, %concatenate3A_511, %select_n3A_496 : vector<640x8x129xi1>, vector<640x8x129xf32>
    %slice3A_515 = vector.extract_strided_slice %select_n3A_501 {offsets = [0, 0, 0], sizes = [576, 8, 129], strides = [1, 1, 1]} : vector<640x8x129xf32> to vector<576x8x129xf32>
    %concatenate3A_516 = tpu.concatenate %broadcast_in_dim3A_509, %slice3A_515 in 0 : vector<64x8x129xf32>, vector<576x8x129xf32> -> vector<640x8x129xf32>
    %broadcast_in_dim3A_517 = vector.shape_cast %ne3A_507 : vector<1x1x129xi1> to vector<1x1x129xi1>
    %broadcast_in_dim3A_518 = vector.broadcast %broadcast_in_dim3A_517 : vector<1x1x129xi1> to vector<640x8x129xi1>
    %select_n3A_519 = arith.select %broadcast_in_dim3A_518, %concatenate3A_516, %select_n3A_501 : vector<640x8x129xi1>, vector<640x8x129xf32>
    %and3A_520 = arith.constant 128 : i32
    %and3A_521 = vector.broadcast %and3A_520 : i32 to vector<1x1x129xi32>
    %and3A_522 = arith.andi %iota3A_396, %and3A_521 : vector<1x1x129xi32>
    %ne3A_523 = arith.constant 0 : i32
    %ne3A_524 = vector.broadcast %ne3A_523 : i32 to vector<1x1x129xi32>
    %ne3A_525 = arith.cmpi ne, %and3A_522, %ne3A_524 : vector<1x1x129xi32>
    %broadcast_in_dim3A_526 = arith.constant -1.000000e+30 : f32
    %broadcast_in_dim3A_527 = vector.broadcast %broadcast_in_dim3A_526 : f32 to vector<128x8x129xf32>
    %slice3A_528 = vector.extract_strided_slice %select_n3A_514 {offsets = [0, 0, 0], sizes = [512, 8, 129], strides = [1, 1, 1]} : vector<640x8x129xf32> to vector<512x8x129xf32>
    %concatenate3A_529 = tpu.concatenate %broadcast_in_dim3A_527, %slice3A_528 in 0 : vector<128x8x129xf32>, vector<512x8x129xf32> -> vector<640x8x129xf32>
    %broadcast_in_dim3A_530 = vector.shape_cast %ne3A_525 : vector<1x1x129xi1> to vector<1x1x129xi1>
    %broadcast_in_dim3A_531 = vector.broadcast %broadcast_in_dim3A_530 : vector<1x1x129xi1> to vector<640x8x129xi1>
    %select_n3A_532 = arith.select %broadcast_in_dim3A_531, %concatenate3A_529, %select_n3A_514 : vector<640x8x129xi1>, vector<640x8x129xf32>
    %slice3A_533 = vector.extract_strided_slice %select_n3A_519 {offsets = [0, 0, 0], sizes = [512, 8, 129], strides = [1, 1, 1]} : vector<640x8x129xf32> to vector<512x8x129xf32>
    %concatenate3A_534 = tpu.concatenate %broadcast_in_dim3A_527, %slice3A_533 in 0 : vector<128x8x129xf32>, vector<512x8x129xf32> -> vector<640x8x129xf32>
    %broadcast_in_dim3A_535 = vector.shape_cast %ne3A_525 : vector<1x1x129xi1> to vector<1x1x129xi1>
    %broadcast_in_dim3A_536 = vector.broadcast %broadcast_in_dim3A_535 : vector<1x1x129xi1> to vector<640x8x129xi1>
    %select_n3A_537 = arith.select %broadcast_in_dim3A_536, %concatenate3A_534, %select_n3A_519 : vector<640x8x129xi1>, vector<640x8x129xf32>
    %iota3A_538 = tpu.iota {dimensions = array<i32: 1>} : vector<8x129xi32>
    %lt3A = vector.broadcast %get3A_4 : vector<8x1xi32> to vector<8x129xi32>
    %lt3A_539 = arith.cmpi slt, %iota3A_538, %lt3A : vector<8x129xi32>
    %sub3A_540 = vector.broadcast %concatenate3A_391 : vector<8x1xf32> to vector<8x129xf32>
    %sub3A_541 = arith.subf %concatenate3A_389, %sub3A_540 : vector<8x129xf32>
    %broadcast_in_dim3A_542 = vector.shape_cast %sub3A_541 : vector<8x129xf32> to vector<1x8x129xf32>
    %add3A_543 = vector.broadcast %broadcast_in_dim3A_542 : vector<1x8x129xf32> to vector<640x8x129xf32>
    %add3A_544 = arith.addf %select_n3A_532, %add3A_543 : vector<640x8x129xf32>
    %broadcast_in_dim3A_545 = vector.shape_cast %lt3A_539 : vector<8x129xi1> to vector<1x8x129xi1>
    %sub3A_546 = vector.broadcast %concatenate3A_391 : vector<8x1xf32> to vector<8x129xf32>
    %sub3A_547 = arith.subf %concatenate3A_390, %sub3A_546 : vector<8x129xf32>
    %broadcast_in_dim3A_548 = vector.shape_cast %sub3A_547 : vector<8x129xf32> to vector<1x8x129xf32>
    %add3A_549 = vector.broadcast %broadcast_in_dim3A_548 : vector<1x8x129xf32> to vector<640x8x129xf32>
    %add3A_550 = arith.addf %select_n3A_537, %add3A_549 : vector<640x8x129xf32>
    %jit3A = arith.constant -1.000000e+30 : f32
    %broadcast_in_dim3A_551 = vector.shape_cast %broadcast_in_dim3A_545 : vector<1x8x129xi1> to vector<1x8x129xi1>
    %broadcast_in_dim3A_552 = vector.broadcast %broadcast_in_dim3A_551 : vector<1x8x129xi1> to vector<640x8x129xi1>
    %broadcast_in_dim3A_553 = vector.broadcast %jit3A : f32 to vector<640x8x129xf32>
    %select_n3A_554 = arith.select %broadcast_in_dim3A_552, %add3A_550, %broadcast_in_dim3A_553 : vector<640x8x129xi1>, vector<640x8x129xf32>
    %swap3A = arith.constant 0 : index
    %swap3A_555 = arith.constant 0 : index
    %swap3A_556 = arith.constant 0 : index
    %swap3A_557 = vector.load %arg8[%swap3A, %swap3A_555, %swap3A_556] : memref<640x8x129xf32, #tpu.memory_space<vmem>>, vector<640x8x129xf32>
    tpu.vector_store %arg8[%swap3A, %swap3A_555, %swap3A_556], %add3A_544 {strides = array<i32>} : memref<640x8x129xf32, #tpu.memory_space<vmem>>, vector<640x8x129xf32>,
    %swap3A_558 = arith.constant 0 : index
    %swap3A_559 = arith.constant 0 : index
    %swap3A_560 = arith.constant 0 : index
    %swap3A_561 = vector.load %arg9[%swap3A_558, %swap3A_559, %swap3A_560] : memref<640x8x129xf32, #tpu.memory_space<vmem>>, vector<640x8x129xf32>
    tpu.vector_store %arg9[%swap3A_558, %swap3A_559, %swap3A_560], %select_n3A_554 {strides = array<i32>} : memref<640x8x129xf32, #tpu.memory_space<vmem>>, vector<640x8x129xf32>,
    %add3A_562 = arith.addi %get3A_1, %get3A_4 : vector<8x1xi32>
    %sub3A_563 = arith.constant 1 : i32
    %sub3A_564 = vector.broadcast %sub3A_563 : i32 to vector<8x1xi32>
    %sub3A_565 = arith.subi %add3A_562, %sub3A_564 : vector<8x1xi32>
    %eq3A_566 = vector.broadcast %get3A_4 : vector<8x1xi32> to vector<8x129xi32>
    %eq3A_567 = arith.cmpi eq, %iota3A_538, %eq3A_566 : vector<8x129xi32>
    %eq3A_568 = arith.constant 0 : i32
    %eq3A_569 = vector.broadcast %eq3A_568 : i32 to vector<8x129xi32>
    %eq3A_570 = arith.cmpi eq, %iota3A_538, %eq3A_569 : vector<8x129xi32>
    %jit3A_571 = arith.constant 0.000000e+00 : f32
    %jit3A_572 = arith.constant -1.000000e+30 : f32
    %broadcast_in_dim3A_573 = vector.broadcast %jit3A_571 : f32 to vector<8x129xf32>
    %broadcast_in_dim3A_574 = vector.broadcast %jit3A_572 : f32 to vector<8x129xf32>
    %select_n3A_575 = arith.select %eq3A_570, %broadcast_in_dim3A_573, %broadcast_in_dim3A_574 : vector<8x129xi1>, vector<8x129xf32>
    %broadcast_in_dim3A_576 = arith.constant 0.000000e+00 : f32
    %broadcast_in_dim3A_577 = vector.broadcast %broadcast_in_dim3A_576 : f32 to vector<8x129xf32>
    %broadcast_in_dim3A_578 = arith.constant -1.000000e+30 : f32
    %broadcast_in_dim3A_579 = vector.broadcast %broadcast_in_dim3A_578 : f32 to vector<8x1xf32>
    %scan3A = arith.constant 0 : i32
    %scan3A_580 = arith.constant 640 : i32
    %scan3A_581 = arith.addi %scan3A, %scan3A_580 : i32
    %scan3A_582 = arith.constant 1 : i32
    %scan3A_583:2 = scf.for %scan3A_595 = %scan3A to %scan3A_581 step %scan3A_582 iter_args(%scan3A_596 = %select_n3A_575, %scan3A_597 = %broadcast_in_dim3A_577) -> (vector<8x129xf32>, vector<8x129xf32>)  : i32 {
      %get3A_598 = arith.index_cast %scan3A_595 : i32 to index
      %get3A_599 = arith.constant 0 : index
      %get3A_600 = arith.constant 0 : index
      %get3A_601 = vector.load %arg8[%get3A_598, %get3A_599, %get3A_600] : memref<640x8x129xf32, #tpu.memory_space<vmem>>, vector<1x8x129xf32>
      %get3A_602 = vector.shape_cast %get3A_601 : vector<1x8x129xf32> to vector<8x129xf32>
      %get3A_603 = arith.index_cast %scan3A_595 : i32 to index
      %get3A_604 = arith.constant 0 : index
      %get3A_605 = arith.constant 0 : index
      %get3A_606 = vector.load %arg9[%get3A_603, %get3A_604, %get3A_605] : memref<640x8x129xf32, #tpu.memory_space<vmem>>, vector<1x8x129xf32>
      %get3A_607 = vector.shape_cast %get3A_606 : vector<1x8x129xf32> to vector<8x129xf32>
      %add3A_608 = arith.addf %scan3A_596, %get3A_602 : vector<8x129xf32>
      %eq3A_609 = vector.broadcast %scan3A_595 : i32 to vector<8x1xi32>
      %eq3A_610 = arith.cmpi eq, %sub3A_565, %eq3A_609 : vector<8x1xi32>
      %and3A_611 = vector.broadcast %eq3A_610 : vector<8x1xi1> to vector<8x129xi1>
      %and3A_612 = arith.andi %and3A_611, %eq3A_567 : vector<8x129xi1>
      %jit3A_613 = arith.constant 0.000000e+00 : f32
      %broadcast_in_dim3A_614 = vector.broadcast %jit3A_613 : f32 to vector<8x129xf32>
      %select_n3A_615 = arith.select %and3A_612, %add3A_608, %broadcast_in_dim3A_614 : vector<8x129xi1>, vector<8x129xf32>
      %add3A_616 = arith.addf %scan3A_597, %select_n3A_615 : vector<8x129xf32>
      %add3A_617 = arith.addf %scan3A_596, %get3A_607 : vector<8x129xf32>
      %slice3A_618 = vector.extract_strided_slice %add3A_617 {offsets = [0, 0], sizes = [8, 128], strides = [1, 1]} : vector<8x129xf32> to vector<8x128xf32>
      %concatenate3A_619 = tpu.concatenate %broadcast_in_dim3A_579, %slice3A_618 in 1 : vector<8x1xf32>, vector<8x128xf32> -> vector<8x129xf32>
      %max3A = arith.maximumf %add3A_608, %concatenate3A_619 : vector<8x129xf32>
      %sub3A_620 = arith.subf %add3A_608, %concatenate3A_619 : vector<8x129xf32>
      %abs3A = math.absf %sub3A_620 : vector<8x129xf32>
      %neg3A_621 = arith.constant 0.000000e+00 : f32
      %neg3A_622 = vector.broadcast %neg3A_621 : f32 to vector<8x129xf32>
      %neg3A_623 = arith.subf %neg3A_622, %abs3A : vector<8x129xf32>
      %exp3A_624 = math.exp %neg3A_623 : vector<8x129xf32>
      %log1p3A = math.log1p %exp3A_624 : vector<8x129xf32>
      %add3A_625 = arith.addf %max3A, %log1p3A : vector<8x129xf32>
      scf.yield %add3A_625, %add3A_616 : vector<8x129xf32>, vector<8x129xf32>
    }
    %scan3A_584 = arith.constant 640 : i32
    %reduce_sum3A_585 = vector.shape_cast %scan3A_583#1 : vector<8x129xf32> to vector<1x8x129xf32>
    %reduce_sum3A_586 = arith.constant dense<0.000000e+00> : vector<1xf32>
    %reduce_sum3A_587 = vector.multi_reduction <add>, %reduce_sum3A_585, %reduce_sum3A_586 [1, 2] : vector<1x8x129xf32> to vector<1xf32>
    %reduce_sum3A_588 = vector.shape_cast %reduce_sum3A_587 : vector<1xf32> to vector<1x1x1xf32>
    %reduce_sum3A_589 = vector.extract %reduce_sum3A_588[0, 0, 0] : f32 from vector<1x1x1xf32>
    %neg3A = arith.constant 0.000000e+00 : f32
    %neg3A_590 = arith.subf %neg3A, %reduce_sum3A_589 : f32
    %reshape3A_591 = vector.broadcast %neg3A_590 : f32 to vector<1x1xf32>
    %swap3A_592 = arith.constant 0 : index
    %swap3A_593 = arith.constant 0 : index
    %swap3A_594 = vector.load %arg7[%swap3A_592, %swap3A_593] : memref<1x1xf32, #tpu.memory_space<vmem>>, vector<1x1xf32>
    tpu.vector_store %arg7[%swap3A_592, %swap3A_593], %reshape3A_591 {strides = array<i32>} : memref<1x1xf32, #tpu.memory_space<vmem>>, vector<1x1xf32>,
    return
  }
}

</mosaic_0001>

<sc_bundles>
// kernel: kernel.5.cloned.1.call-start
scs
__scs_entry_jumppad:
0x0: {  	(pc) =	sbr.rel $0x88, $3  }
0x1: {  	(tag) =	ssettag $0x0;
	lr =	simm.s32 $0x1  }
0x2: {  	[smem:$0x3F96] =	sst lr;
	_ =	strace $0xD0000000  }
0x3: {  	_ = 	snop  }
0x4: {  	_ = 	snop  }
0x5: {  	_ = 	snop  }
0x6: {  	_ = 	snop  }
0x7: {  	_ = 	snop  }
__scs_overlays_trampoline_lowered:
0x8: {  	[smem:$0x3FA5] =	sst s0  }
0x9: {  	[smem:$0x3FA6] =	sst s1  }
0xa: {  	[smem:$0x3FA7] =	sst s2  }
0xb: {  	[smem:$0x3FA8] =	sst s3  }
0xc: {  	[smem:$0x3FA9] =	sst s4  }
0xd: {  	[smem:$0x3FAA] =	sst s5  }
0xe: {  	[smem:$0x3FAB] =	sst s6  }
0xf: {  	[smem:$0x3FAC] =	sst s7  }
0x10: {  	[smem:$0x3FAD] =	sst s8  }
0x11: {  	[smem:$0x3FAE] =	sst s9;
	s0 =	simm.s32 @!p0 $0x0  }
0x12: {  	s1 =	sld [smem:$0x3F94];
	s0 =	simm.s32 @p0 $0x1  }
0x13: {  	[smem:$0x3FAF] =	sst s0;
	s0 =	simm.s32 @!p1 $0x0  }
0x14: {  	s2 =	sld [smem:$0x3F93];
	s0 =	simm.s32 @p1 $0x1  }
0x15: {  	[smem:$0x3FB0] =	sst s0;
	s0 =	simm.s32 @!p2 $0x0  }
0x16: {  	s3 =	sld [smem:$0x3FDB];
	s0 =	simm.s32 @p2 $0x1  }
0x17: {  	s4 =	simm.s32 $0x1BF5;
	[smem:$0x3FB2] =	sst s0  }
0x18: {  	s0 =	sld [smem:$0x3F95];
	_ =	swait.ge [sflag:s4], $0x0  }
0x19: {  	s7 =	sld [smem:$0x3F96]  }
0x1a: {  	s8 =	sadd.s32 $0xFFFFE003, lr  }
0x1b: {  	s9 =	sadd.s32 $0xFFFFFEF7, lr;
	s5 =	simm.s32 $0xFFFFFFFF;
	p2 =	slt.u32 s8, $0xFFFFF086  }
0x1c: {  	p1 =	slt.u32 s9, $0xF7A;
	s5 =	simm.s32 @!p2 $0x0  }
0x1d: {  	s5 =	simm.s32 @p1 $0x1;
	p0 =	seq.s32 s7, s2  }
0x1e: {  	s7 =	smul.u32 @!p0 $0xF7A, s2;
	p2 =	seq.s32 @!p0 s5, $0x0  }
0x1f: {  	s9 =	smul.u32 $0xF7A, s1;
	s8 =	simm.s32 @!p0 $0x1BF5;
	p2 =	por !p2, p0  }
0x20: {  	[sflag:s8] =	ssyncset.s32 @!p0 $0xFFFFF086;
	s6 =	sadd.s32 @!p0 s3, s7;
	s7 =	simm.s32 @!p0 $0x108  }
0x21: {  	s3 =	sadd.s32 s3, s9;
	s6 =	sadd.s32 @!p0 $0x88, s6;
	s7 =	simm.s32 @p2 $0x1082  }
0x22: {  	[simem:s7], [sflag:s8] =	dma.local @!p0 [hbm:s6], $0xF7A  }
0x23: {  	s9 =	sor.u32 $0xD0000000, s2;
	s6 =	simm.s32 $0x108;
	_ =	swait.ge @!p0 [sflag:s8], $0x0  }
0x24: {  	s3 =	sadd.s32 $0x88, s3;
	s6 =	simm.s32 @!p1 $0x1082;
	[sflag:s4] =	ssyncset.s32 $0xFFFFF086  }
0x25: {  	[simem:s6], [sflag:s4] =	dma.local [hbm:s3], $0xF7A  }
0x26: {  	[smem:$0x3F96] =	sst s1;
	(tag) =	ssettag s2;
	_ =	strace s9  }
0x27: {  	s1 =	sld [smem:$0x3FA6]  }
0x28: {  	s2 =	sld [smem:$0x3FA7]  }
0x29: {  	s4 =	sld [smem:$0x3FA9]  }
0x2a: {  	p0 =	seq.s32 s5, $0x0;
	s5 =	sld [smem:$0x3FAA]  }
0x2b: {  	s6 =	sld [smem:$0x3FAB]  }
0x2c: {  	s7 =	sld [smem:$0x3FAC]  }
0x2d: {  	s3 =	simm.s32 $0x108;
	s8 =	sld [smem:$0x3FAD]  }
0x2e: {  	s3 =	simm.s32 @!p0 $0x1082;
	s9 =	sld [smem:$0x3FAE]  }
0x2f: {  	lr =	sadd.s32 s0, s3;
	s0 =	sld [smem:$0x3FA5]  }
0x30: {  	s3 =	sld [smem:$0x3FA8]  }
0x31: {  	[smem:$0x3FB1] =	sst s10  }
0x32: {  	s10 =	sld [smem:$0x3FAF];
	_ =	sdelay $0x3  }
0x33: {  	p0 =	seq.s32 s10, $0x1;
	s10 =	sld [smem:$0x3FB1];
	_ =	sdelay $0x3  }
0x34: {  	[smem:$0x3FB1] =	sst s10  }
0x35: {  	s10 =	sld [smem:$0x3FB0];
	_ =	sdelay $0x3  }
0x36: {  	p1 =	seq.s32 s10, $0x1;
	s10 =	sld [smem:$0x3FB1];
	_ =	sdelay $0x3  }
0x37: {  	[smem:$0x3FB1] =	sst s10  }
0x38: {  	s10 =	sld [smem:$0x3FB2]  }
0x39: {  	_ = 	snop;
	(pc) =	sbr.ind lr, $3  }
0x3a: {  	_ = 	snop  }
0x3b: {  	_ = 	snop  }
0x3c: {  	p2 =	seq.s32 s10, $0x1;
	s10 =	sld [smem:$0x3FB1]  }
0x3d: {  	_ =	shalt  }
0x3e: {  	_ =	shalt  }
0x3f: {  	_ =	shalt  }
0x40: {  	_ =	shalt  }
0x41: {  	_ =	shalt  }
0x42: {  	_ =	shalt  }
0x43: {  	_ =	shalt  }
0x44: {  	_ =	shalt  }
0x45: {  	_ =	shalt  }
0x46: {  	_ =	shalt  }
0x47: {  	_ =	shalt  }
0x48: {  	_ =	shalt  }
0x49: {  	_ =	shalt  }
0x4a: {  	_ =	shalt  }
0x4b: {  	_ =	shalt  }
0x4c: {  	_ =	shalt  }
0x4d: {  	_ =	shalt  }
0x4e: {  	_ =	shalt  }
0x4f: {  	_ =	shalt  }
0x50: {  	_ =	shalt  }
0x51: {  	_ =	shalt  }
0x52: {  	_ =	shalt  }
0x53: {  	_ =	shalt  }
0x54: {  	_ =	shalt  }
0x55: {  	_ =	shalt  }
0x56: {  	_ =	shalt  }
0x57: {  	_ =	shalt  }
0x58: {  	_ =	shalt  }
0x59: {  	_ =	shalt  }
0x5a: {  	_ =	shalt  }
0x5b: {  	_ =	shalt  }
0x5c: {  	_ =	shalt  }
0x5d: {  	_ =	shalt  }
0x5e: {  	_ =	shalt  }
0x5f: {  	_ =	shalt  }
0x60: {  	_ =	shalt  }
0x61: {  	_ =	shalt  }
0x62: {  	_ =	shalt  }
0x63: {  	_ =	shalt  }
0x64: {  	_ =	shalt  }
0x65: {  	_ =	shalt  }
0x66: {  	_ =	shalt  }
0x67: {  	_ =	shalt  }
0x68: {  	_ =	shalt  }
0x69: {  	_ =	shalt  }
0x6a: {  	_ =	shalt  }
0x6b: {  	_ =	shalt  }
0x6c: {  	_ =	shalt  }
0x6d: {  	_ =	shalt  }
0x6e: {  	_ =	shalt  }
0x6f: {  	_ =	shalt  }
0x70: {  	_ =	shalt  }
0x71: {  	_ =	shalt  }
0x72: {  	_ =	shalt  }
0x73: {  	_ =	shalt  }
0x74: {  	_ =	shalt  }
0x75: {  	_ =	shalt  }
0x76: {  	_ =	shalt  }
0x77: {  	_ =	shalt  }
0x78: {  	_ =	shalt  }
0x79: {  	_ =	shalt  }
0x7a: {  	_ =	shalt  }
0x7b: {  	_ =	shalt  }
0x7c: {  	_ =	shalt  }
0x7d: {  	_ =	shalt  }
0x7e: {  	_ =	shalt  }
0x7f: {  	_ =	shalt  }
0x80: {  	_ =	shalt  }
0x81: {  	_ =	shalt  }
0x82: {  	_ =	shalt  }
0x83: {  	_ =	shalt  }
0x84: {  	_ =	shalt  }
0x85: {  	_ =	shalt  }
0x86: {  	_ =	shalt  }
0x87: {  	_ =	shalt  }
.Lfunc_end0:
.L_simem_size_0:
called_computation_lowered:
.L_overlay_start_0:
0x88: {  	s2 =	sld [smem:$0x3FD9]  }
0x89: {  	s3 =	sld [smem:$0x3FFE];
	_ =	sdelay $0x1  }
0x8a: {  	s1 =	srdreg.scid  }
0x8b: {  	s0 =	sand.u32 $0x1, s1  }
0x8c: {  	s17 =	sshll.u32 s0, $0xA;
	s2 =	sadd.s32 s3, s2  }
0x8d: {  	s2 =	sadd.s32 s2, s17  }
0x8e: {  	[smem:$0x3FBD] =	sst s2  }
0x8f: {  	_ = 	snop  }
0x90: {  	s2 =	sld [smem:$0x3FC3];
	(tm) =	ssettm $0x1  }
0x91: {  	s18 =	sld [smem:$0x3FFB];
	_ =	sdelay $0x3  }
0x92: {  	_ =	strace s18  }
0x93: {  	s3 =	sld [smem:$0x3FFC];
	_ =	sdelay $0x3  }
0x94: {  	_ =	strace s3  }
0x95: {  	s3 =	sld [smem:$0x3FFD];
	_ =	sdelay $0x3  }
0x96: {  	_ =	strace s3  }
0x97: {  	_ =	strace $0x8FFFFFFF  }
0x98: {  	s19 =	sld [smem:$0x3FDB];
	_ =	sdelay $0x1  }
0x99: {  	s4 =	simm.s32 $_scs_section_size  }
0x9a: {  	s5 =	simm.s32 $_size__tile_overlayer_lowered;
	s6 =	simm.s32 $_tile_overlayer_lowered  }
0x9b: {  	s22 =	simm.s32 $0x1BFF;
	s21 =	sshll.u32 s6, $0x1;
	s3 =	sadd.s32 s4, s19  }
0x9c: {  	s7 =	simm.s32 $0x0;
	s20 =	sshll.u32 s5, $0x1;
	s5 =	sadd.s32 s21, s3  }
0x9d: {  	[timem:s7], [sflag:s22] =	dma.local [hbm:s5], s20  }
0x9e: {  	_ =	swait.ge [sflag:s22], s20  }
0x9f: {  	s4 =	ssub.s32 $0x0, s20;
	[sflag:s22] =	ssyncset.done $0x0  }
0xa0: {  	[sflag:s22] =	ssyncadd.s32 s4;
	_ =	sdelay $0x1  }
0xa1: {  	s23 =	simm.s32 $0x1B8B  }
0xa2: {  	_ =	swait.ge [sflag:s23], $0x1  }
0xa3: {  	[sflag:s23] =	ssyncset.done $0x0  }
0xa4: {  	s25 =	simm.s32 $0x1B8E;
	s24 =	sld [smem:$0x3FFE];
	[sflag:s23] =	ssyncadd.s32 $0xFFFFFFFF  }
0xa5: {  	s26 =	simm.s32 $execute0_lowered;
	[smem:$0x3FD2] =	sst s25  }
0xa6: {  	s5 =	sshll.u32 s26, $0x1;
	_ =	strace $0x80000046;
	[dreg:$0x1] =	wrdreg $0xFFFFFFFF  }
0xa7: {  	s28 =	simm.s32 $_size_execute0_lowered;
	s3 =	sadd.s32 s3, s5;
	[dreg:$0x0] =	wrdreg $0x0  }
0xa8: {  	s5 =	sshll.u32 s28, $0x1;
	[dreg:$0x2] =	wrdreg s3  }
0xa9: {  	[dreg:$0x3] =	wrdreg s5  }
0xaa: {  	[dreg:$0x4] =	wrdreg $0xC0  }
0xab: {  	_ =	task [dreg:s7], $0x5FFFF  }
0xac: {  	[dreg:$0x1] =	wrdreg $0xFFFFFFFF  }
0xad: {  	[dreg:$0x0] =	wrdreg $0x60  }
0xae: {  	[dreg:$0x2] =	wrdreg s2  }
0xaf: {  	[dreg:$0x3] =	wrdreg s24  }
0xb0: {  	[dreg:$0x4] =	wrdreg $0x9  }
0xb1: {  	_ =	task.clear_ibuf [dreg:s7], $0x5FFFF;
	_ =	strace $0x90000046  }
0xb2: {  	s29 =	simm.s32 $0x9;
	_ =	strace $0x80000048  }
0xb3: {  	_ =	swait.ge [sflag:s29], $0x1  }
0xb4: {  	[sflag:s29] =	ssyncadd.s32 $0xFFFFFFFF  }
0xb5: {  	_ =	strace $0x90000048  }
0xb6: {  	_ =	sfence  }
0xb7: {  	s30 =	sld [smem:$0x0];
	_ =	sdelay $0x2  }
0xb8: {  	s31 =	sshll.u32 s1, $0xD;
	s1 =	sshrl.u32 s1, $0x2  }
0xb9: {  	s3 =	sand.u32 $0x4000, s31;
	s1 =	sadd.s32 s1, s30  }
0xba: {  	s0 =	sor.u32 s3, s0;
	s1 =	sshll.u32 s1, $0x11  }
0xbb: {  	s0 =	sor.u32 s1, s0  }
0xbc: {  	s0 =	sadd.s32 $0x8F2B, s0  }
0xbd: {  	[sflag:s0] =	ssyncadd.remote.s32 $0x1  }
0xbe: {  	_ =	sfence.sel $0xFFFF  }
0xbf: {  	[dreg:$0x0] =	wrdreg $0xFFFFFFFF;
	(pc) =	sbr.abs _section_cstart, $3  }
0xc0: {  	[dreg:$0x1] =	wrdreg $0xFFFFFFFF  }
0xc1: {  	_ =	task.clear_ibuf [dreg:s7], $0x2FFFF;
	_ =	strace $0x9FFFFFFF  }
0xc2: {  	(tm) =	ssettm $0x7FFFFFFF  }
0xc3: {  	_ =	shalt  }
tec
execute0_lowered:
.L_overlay_start_1:
0x0: {  	(tag) =	ssettag $0x1  }
0x1: {  	s2 =	rddreg [dreg:$0x0];
	s1 =	srdreg.scid  }
0x2: {  	s0 =	stileid.u32;
	s4 =	rddreg [dreg:$0x1];
	s3 =	simm.s32 $0x0  }
0x3: {  	s11 =	simm.s32 $0xB;
	s12 =	simm.s32 $0x80;
	s13 =	simm.s32 $0x880  }
0x4: {  	s14 =	simm.s32 $0x1080;
	s15 =	simm.s32 $0x1880;
	s16 =	simm.s32 $0x2080  }
0x5: {  	s17 =	simm.s32 $0x2880;
	s18 =	simm.s32 $0x3080;
	s19 =	simm.s32 $0x3880  }
0x6: {  	s20 =	simm.s32 $0x4080;
	s21 =	simm.s32 $0x4880;
	s22 =	simm.s32 $0x1  }
0x7: {  	s23 =	simm.s32 $0x2;
	s24 =	simm.s32 $0x3;
	s28 =	simm.s32 $0x6  }
0x8: {  	s29 =	simm.s32 $0x7;
	s1 =	sand.u32 $0x1, s1;
	s5 =	sshll.u32 s0, $0x1  }
0x9: {  	s30 =	simm.s32 $0x8;
	s31 =	simm.s32 $0x9;
	s5 =	sor.u32 s1, s5  }
0xa: {  	[smem:$0x7FF] =	sst s3;
	s1 =	ssub.s32 $0x2, s1;
	s6 =	smul.u32 $0x5, s5  }
0xb: {  	s9 =	sadd.s32 $0x1C00, s4;
	s7 =	sshrl.u32 s1, $0x1;
	s8 =	smul.u32 $0x5000, s5  }
0xc: {  	_ =	strace $0x80000047;
	s5 =	smul.u32 $0xA00, s5;
	s1 =	ssub.s32 s1, s7  }
0xd: {  	s6 =	sadd.s32 s6, s4;
	s26 =	sshrl.u32 s8, $0x3;
	s4 =	sadd.s32 $0x100, s2  }
0xe: {  	s5 =	sadd.s32 s9, s5;
	s25 =	sadd.s32 $0x1A00, s6;
	s10 =	sadd.s32 s9, s26  }
0xf: {  	v0 =	vlaneseq.u32;
	s26 =	simm.s32 $0x5;
	[dreg:$0x3] =	wrdreg s25;
	s6 =	sadd.s32 $0x200, s10  }
0x10: {  	v1 =	vshrl.u32 v0, $0x3;
	s7 =	sadd.s32 $0x400, s10;
	s8 =	sadd.s32 $0x600, s10;
	s9 =	sadd.s32 $0x800, s10  }
0x11: {  	vm0 =	vmmov $0xffff;
	v0 =	vand.u32 $0x7, v0;
	v1 =	vmul.u32 $0x8, v1;
	s10 =	smax.u32 s1, $0x1;
	s25 =	simm.s32 $0x4;
	s1 =	simm.s32 $0xA  }
.LBB2_1:
0x12: {  	s0 =	rddreg [dreg:$0x3]  }
0x13: {  	[tilespmem:s3], [sflag:$0xB] =	stream.linear.gather [hbm4b:s0+s3], $0x28, $0x38;
	[tilespmem:$0x5080] =	vst v63  }
0x14: {  	_ =	swait.ge [sflag:s11], $0x28  }
0x15: {  	[sflag:s11] =	ssyncset.done $0x0  }
0x16: {  	[sflag:s11] =	ssyncadd.s32 $0xFFFFFFD8  }
0x17: {  	v2 =	vld.msk [tilespmem:$0x0], $0xff;
	_ =	sdelay $0x4  }
0x18: {  	v3 =	vshll.u32 v2, $0x2  }
0x19: {  	v2 =	vand.u32 $0x7, v2;
	v3 =	vand.u32 $0xFFFFFFE0, v3  }
0x1a: {  	v2 =	vor.u32 v2, v3  }
0x1b: {  	v2 =	vperm.xlane v2, v0;
	_ =	sdelay $0x1  }
0x1c: {  	v2 =	vadd.s32 v1, v2;
	_ =	sdelay $0x4  }
0x1d: {  	[tilespmem:s12], [sflag:$0x1] =	stream.indirect_vreg.gather [hbm4b:s2+s3], $0x80, v2, vm0, $0xb8;
	[tilespmem:$0x5080] =	vst v63  }
0x1e: {  	_ = 	snop  }
0x1f: {  	[tilespmem:s13], [sflag:$0x1] =	stream.indirect_vreg.gather [hbm4b:s4+s3], $0x80, v2, vm0, $0xb8;
	[tilespmem:$0x5080] =	vst v63  }
0x20: {  	v2 =	vld.msk [tilespmem:$0x8], $0xff;
	_ =	sdelay $0x4  }
0x21: {  	v3 =	vshll.u32 v2, $0x2  }
0x22: {  	v2 =	vand.u32 $0x7, v2;
	v3 =	vand.u32 $0xFFFFFFE0, v3  }
0x23: {  	v2 =	vor.u32 v2, v3  }
0x24: {  	v2 =	vperm.xlane v2, v0;
	_ =	sdelay $0x1  }
0x25: {  	v2 =	vadd.s32 v1, v2;
	_ =	sdelay $0x4  }
0x26: {  	[tilespmem:s14], [sflag:$0x2] =	stream.indirect_vreg.gather [hbm4b:s2+s3], $0x80, v2, vm0, $0xb8;
	[tilespmem:$0x5080] =	vst v63  }
0x27: {  	_ = 	snop  }
0x28: {  	[tilespmem:s15], [sflag:$0x2] =	stream.indirect_vreg.gather [hbm4b:s4+s3], $0x80, v2, vm0, $0xb8;
	[tilespmem:$0x5080] =	vst v63  }
0x29: {  	v2 =	vld.msk [tilespmem:$0x10], $0xff;
	_ =	sdelay $0x4  }
0x2a: {  	v3 =	vshll.u32 v2, $0x2  }
0x2b: {  	v2 =	vand.u32 $0x7, v2;
	v3 =	vand.u32 $0xFFFFFFE0, v3  }
0x2c: {  	v2 =	vor.u32 v2, v3  }
0x2d: {  	v2 =	vperm.xlane v2, v0;
	_ =	sdelay $0x1  }
0x2e: {  	v2 =	vadd.s32 v1, v2;
	_ =	sdelay $0x4  }
0x2f: {  	[tilespmem:s16], [sflag:$0x3] =	stream.indirect_vreg.gather [hbm4b:s2+s3], $0x80, v2, vm0, $0xb8;
	[tilespmem:$0x5080] =	vst v63  }
0x30: {  	_ = 	snop  }
0x31: {  	[tilespmem:s17], [sflag:$0x3] =	stream.indirect_vreg.gather [hbm4b:s4+s3], $0x80, v2, vm0, $0xb8;
	[tilespmem:$0x5080] =	vst v63  }
0x32: {  	v2 =	vld.msk [tilespmem:$0x18], $0xff;
	_ =	sdelay $0x4  }
0x33: {  	v3 =	vshll.u32 v2, $0x2  }
0x34: {  	v2 =	vand.u32 $0x7, v2;
	v3 =	vand.u32 $0xFFFFFFE0, v3  }
0x35: {  	v2 =	vor.u32 v2, v3  }
0x36: {  	v2 =	vperm.xlane v2, v0;
	_ =	sdelay $0x1  }
0x37: {  	v2 =	vadd.s32 v1, v2;
	_ =	sdelay $0x4  }
0x38: {  	[tilespmem:s18], [sflag:$0x4] =	stream.indirect_vreg.gather [hbm4b:s2+s3], $0x80, v2, vm0, $0xb8;
	[tilespmem:$0x5080] =	vst v63  }
0x39: {  	_ = 	snop  }
0x3a: {  	[tilespmem:s19], [sflag:$0x4] =	stream.indirect_vreg.gather [hbm4b:s4+s3], $0x80, v2, vm0, $0xb8;
	[tilespmem:$0x5080] =	vst v63  }
0x3b: {  	v2 =	vld.msk [tilespmem:$0x20], $0xff;
	_ =	sdelay $0x4  }
0x3c: {  	v3 =	vshll.u32 v2, $0x2  }
0x3d: {  	v2 =	vand.u32 $0x7, v2;
	v3 =	vand.u32 $0xFFFFFFE0, v3  }
0x3e: {  	v2 =	vor.u32 v2, v3  }
0x3f: {  	v2 =	vperm.xlane v2, v0;
	_ =	sdelay $0x1  }
0x40: {  	v2 =	vadd.s32 v1, v2;
	_ =	sdelay $0x4  }
0x41: {  	[tilespmem:s20], [sflag:$0x5] =	stream.indirect_vreg.gather [hbm4b:s2+s3], $0x80, v2, vm0, $0xb8;
	[tilespmem:$0x5080] =	vst v63  }
0x42: {  	_ = 	snop  }
0x43: {  	[tilespmem:s21], [sflag:$0x5] =	stream.indirect_vreg.gather [hbm4b:s4+s3], $0x80, v2, vm0, $0xb8;
	[tilespmem:$0x5080] =	vst v63  }
0x44: {  	_ =	swait.ge [sflag:s22], $0x1000  }
0x45: {  	[sflag:s22] =	ssyncset.done $0x0  }
0x46: {  	[sflag:s22] =	ssyncadd.s32 $0xFFFFF000  }
0x47: {  	[hbm4b:s5+s3] =	stream.linear.scatter [tilespmem:s12], [sflag:$0x6], $0x1000, $0x38;
	[tilespmem:$0x5080] =	vst v63  }
0x48: {  	_ =	swait.ge [sflag:s23], $0x1000  }
0x49: {  	[sflag:s23] =	ssyncset.done $0x0  }
0x4a: {  	[sflag:s23] =	ssyncadd.s32 $0xFFFFF000  }
0x4b: {  	[hbm4b:s6+s3] =	stream.linear.scatter [tilespmem:s14], [sflag:$0x7], $0x1000, $0x38;
	[tilespmem:$0x5080] =	vst v63  }
0x4c: {  	_ =	swait.ge [sflag:s24], $0x1000  }
0x4d: {  	[sflag:s24] =	ssyncset.done $0x0  }
0x4e: {  	[sflag:s24] =	ssyncadd.s32 $0xFFFFF000  }
0x4f: {  	[hbm4b:s7+s3] =	stream.linear.scatter [tilespmem:s16], [sflag:$0x8], $0x1000, $0x38;
	[tilespmem:$0x5080] =	vst v63  }
0x50: {  	_ =	swait.ge [sflag:s25], $0x1000  }
0x51: {  	[sflag:s25] =	ssyncset.done $0x0  }
0x52: {  	[sflag:s25] =	ssyncadd.s32 $0xFFFFF000  }
0x53: {  	[hbm4b:s8+s3] =	stream.linear.scatter [tilespmem:s18], [sflag:$0x9], $0x1000, $0x38;
	[tilespmem:$0x5080] =	vst v63  }
0x54: {  	_ =	swait.ge [sflag:s26], $0x1000  }
0x55: {  	[sflag:s26] =	ssyncset.done $0x0  }
0x56: {  	[sflag:s26] =	ssyncadd.s32 $0xFFFFF000  }
0x57: {  	[hbm4b:s9+s3] =	stream.linear.scatter [tilespmem:s20], [sflag:$0xA], $0x1000, $0x38;
	[tilespmem:$0x5080] =	vst v63  }
0x58: {  	_ =	swait.ge [sflag:s28], $0x1000  }
0x59: {  	[sflag:s28] =	ssyncset.done $0x0  }
0x5a: {  	[sflag:s28] =	ssyncadd.s32 $0xFFFFF000  }
0x5b: {  	_ =	swait.ge [sflag:s29], $0x1000  }
0x5c: {  	[sflag:s29] =	ssyncset.done $0x0  }
0x5d: {  	[sflag:s29] =	ssyncadd.s32 $0xFFFFF000  }
0x5e: {  	_ =	swait.ge [sflag:s30], $0x1000  }
0x5f: {  	[sflag:s30] =	ssyncset.done $0x0  }
0x60: {  	[sflag:s30] =	ssyncadd.s32 $0xFFFFF000  }
0x61: {  	p0 =	sne.s32 s10, $0x1;
	_ =	swait.ge [sflag:s31], $0x1000  }
.Ltmp0:
0x62: {  	[sflag:s31] =	ssyncset.done $0x0;
	(pc) =	sbr.rel @p0 .LBB2_1-.Ltmp0, $4  }
0x63: {  	[sflag:s31] =	ssyncadd.s32 $0xFFFFF000  }
0x64: {  	_ =	swait.ge [sflag:s1], $0x1000  }
0x65: {  	[sflag:s1] =	ssyncset.done $0x0  }
0x66: {  	s10 =	sadd.s32 $0xFFFFFFFF, s10;
	[sflag:s1] =	ssyncadd.s32 $0xFFFFF000  }
0x67: {  	_ =	sfence.sel $0x180000  }
0x68: {  	[bflag:$0x0] =	sbarrier.arrive $0xFFFF  }
0x69: {  	_ =	strace $0x90000047  }
0x6a: {  	s0 =	stileid.u32;
	[bflag:$0x2] =	sbarrier.arrive $0xFFFF  }
0x6b: {  	p0 =	sne.s32 s0, $0x0;
	s0 =	rddreg [dreg:$0x2]  }
0x6c: {  	s0 =	sadd.s32 @!p0 $0x100000, s0  }
0x6d: {  	[sflag:s0] =	ssyncadd.tile.s32 @!p0 $0x1;
	_ =	shalt  }
.Lfunc_end2:
_tile_overlayer_lowered:
.L_overlay_start_2:
0x6e: {  	(tag) =	ssettag $0x2  }
0x6f: {  	s0 =	rddreg [dreg:$0x0];
	s2 =	stileid.u32  }
0x70: {  	s1 =	rddreg [dreg:$0x1];
	p0 =	sne.s32 s2, $0x0  }
0x71: {  	s3 =	rddreg [dreg:$0x2];
	[bflag:$0x3] =	sbarrier.arrive $0xFFFF;
	s2 =	simm.s32 @!p0 $0x1C0B  }
0x72: {  	[timem:s3], [sflag:s2] =	dma.local @!p0 [hbm:s0], s1  }
0x73: {  	s0 =	simm.s32 @!p0 $0xB  }
0x74: {  	_ =	swait.ge @!p0 [sflag:s0], s1  }
0x75: {  	s1 =	ssub.s32 @!p0 $0x0, s1;
	[sflag:s0] =	ssyncset.done @!p0 $0x0  }
0x76: {  	[sflag:s0] =	ssyncadd.s32 @!p0 s1  }
0x77: {  	[bflag:$0x3] =	sbarrier.arrive $0xFFFF  }
0x78: {  	_ =	shalt  }

</sc_bundles>
